<compile_context>
chip_gen: v7x
topology: tpu7x:2x2x1
jax: 0.10.2.dev20260603
libtpu: 0.0.44.dev20260713+nightly
codegen_flags: <defaults>
</compile_context>

<pallas_src>
import functools

import jax
import jax.numpy as jnp
from jax import lax
from jax.experimental import pallas as pl
from jax.experimental.pallas import tpu as pltpu
from jax.experimental.pallas import tpu_sc as plsc

N = 10000
E = 320000
D = 128
NC = 2
NS = 16
NW = NC * NS
K = 96
NCHUNK = 105
EPW = NCHUNK * K
EPAD = NW * EPW
NPAD = 10112
SLAB = NPAD // NS
KSUB = K // 16

_mesh = plsc.VectorSubcoreMesh(
    core_axis_name="c", subcore_axis_name="s", num_cores=NC, num_subcores=NS
)
_sc_params = pltpu.CompilerParams(needs_layout_passes=False)


def _worker_id(cid, sid):
    return sid * NC + cid


def _deg_body(dst_hbm, degw_hbm, dst_v, dl_v):
    cid = lax.axis_index("c")
    sid = lax.axis_index("s")
    wid = _worker_id(cid, sid)
    pltpu.sync_copy(dst_hbm.at[wid], dst_v)

    zero16 = jnp.zeros((16,), jnp.float32)
    ones16 = jnp.ones((16,), jnp.float32)

    @pl.loop(0, NPAD // 16)
    def _zero(i):
        dl_v[pl.ds(i * 16, 16)] = zero16

    @pl.loop(0, NCHUNK)
    def _hist(r):
        for j in range(KSUB):
            idx = dst_v[r, pl.ds(j * 16, 16)]
            plsc.addupdate_scatter(dl_v, [idx], ones16)

    pltpu.sync_copy(dl_v, degw_hbm.at[pl.ds(wid * NPAD, NPAD)])


_deg_kernel = functools.partial(
    pl.kernel,
    out_type=jax.ShapeDtypeStruct((NW * NPAD,), jnp.float32),
    mesh=_mesh,
    compiler_params=_sc_params,
    scratch_types=[
        pltpu.VMEM((NCHUNK, K), jnp.int32),
        pltpu.VMEM((NPAD,), jnp.float32),
    ],
)(_deg_body)


def _prop_body(u_hbm, src_hbm, dst_hbm, zeros_hbm, p_hbm,
               src_v, dst_v, rows0, rows1, acc, gsem0, gsem1):
    cid = lax.axis_index("c")
    sid = lax.axis_index("s")
    wid = _worker_id(cid, sid)

    pltpu.sync_copy(src_hbm.at[pl.ds(wid * EPW, EPW)], src_v)
    pltpu.sync_copy(dst_hbm.at[wid], dst_v)

    base = sid * SLAB
    pltpu.sync_copy(zeros_hbm.at[pl.ds(base, SLAB)], acc.at[pl.ds(base, SLAB)])
    plsc.subcore_barrier()

    def _sidx(c):
        return src_v.at[pl.ds(c * K, K)]

    pltpu.async_copy(u_hbm.at[_sidx(0)], rows0, gsem0)

    @pl.loop(0, (NCHUNK - 1) // 2)
    def _edges(o):
        c0 = o * 2
        c1 = c0 + 1
        pltpu.async_copy(u_hbm.at[_sidx(c1)], rows1, gsem1)
        pltpu.make_async_copy(u_hbm.at[_sidx(c0)], rows0, gsem0).wait()
        pltpu.sync_copy(rows0, acc.at[dst_v.at[c0]], add=True)
        pltpu.async_copy(u_hbm.at[_sidx(c0 + 2)], rows0, gsem0)
        pltpu.make_async_copy(u_hbm.at[_sidx(c1)], rows1, gsem1).wait()
        pltpu.sync_copy(rows1, acc.at[dst_v.at[c1]], add=True)

    last = NCHUNK - 1
    pltpu.make_async_copy(u_hbm.at[_sidx(last)], rows0, gsem0).wait()
    pltpu.sync_copy(rows0, acc.at[dst_v.at[last]], add=True)

    plsc.subcore_barrier()
    pltpu.sync_copy(acc.at[pl.ds(base, SLAB)],
                    p_hbm.at[cid, pl.ds(base, SLAB)])


_prop_kernel = functools.partial(
    pl.kernel,
    out_type=jax.ShapeDtypeStruct((NC, NPAD, D), jnp.float32),
    mesh=_mesh,
    compiler_params=_sc_params,
    scratch_types=[
        pltpu.VMEM((EPW,), jnp.int32),
        pltpu.VMEM((NCHUNK, K), jnp.int32),
        pltpu.VMEM((K, D), jnp.float32),
        pltpu.VMEM((K, D), jnp.float32),
        pltpu.VMEM_SHARED((NPAD, D), jnp.float32),
        pltpu.SemaphoreType.DMA,
        pltpu.SemaphoreType.DMA,
    ],
)(_prop_body)


def _tca_body(degw_ref, dinv_ref):
    deg = jnp.sum(degw_ref[...], axis=0) + 1.0
    dinv_ref[...] = lax.rsqrt(deg)


def _tc1_body(x_ref, w_ref, dinv_ref, u_ref):
    xw = jnp.dot(x_ref[...], w_ref[...],
                 preferred_element_type=jnp.float32)
    u_ref[...] = xw * dinv_ref[...]


def _tc2_body(p_ref, u_ref, dinv_ref, b_ref, w_ref, o_ref):
    dinv = dinv_ref[...]
    psum = p_ref[0, :N, :] + p_ref[1, :N, :] + u_ref[...]
    h = psum * dinv + b_ref[...][None, :]
    h = jnp.maximum(h, 0.0)
    hw = jnp.dot(h, w_ref[...],
                 preferred_element_type=jnp.float32)
    o_ref[...] = hw * dinv


def _tc3_body(p_ref, u_ref, dinv_ref, b_ref, o_ref):
    psum = p_ref[0, :N, :] + p_ref[1, :N, :] + u_ref[...]
    logits = psum * dinv_ref[...] + b_ref[...][None, :]
    m = jnp.max(logits, axis=1, keepdims=True)
    e = jnp.exp(logits - m)
    o_ref[...] = e / jnp.sum(e, axis=1, keepdims=True)


_tca = pl.pallas_call(
    _tca_body,
    out_shape=jax.ShapeDtypeStruct((NPAD // 128, 128), jnp.float32),
)

_tc1 = pl.pallas_call(
    _tc1_body,
    out_shape=jax.ShapeDtypeStruct((N, D), jnp.float32),
)

_tc2 = pl.pallas_call(
    _tc2_body,
    out_shape=jax.ShapeDtypeStruct((N, D), jnp.float32),
)

_tc3 = pl.pallas_call(
    _tc3_body,
    out_shape=jax.ShapeDtypeStruct((N, D), jnp.float32),
)


@jax.jit
def kernel(x, edge_index, W1, b1, W2, b2):
    npad_e = EPAD - E
    lanes = jnp.arange(npad_e, dtype=jnp.int32)
    src = jnp.concatenate(
        [edge_index[0].astype(jnp.int32), lanes % N])
    dst = jnp.concatenate(
        [edge_index[1].astype(jnp.int32),
         N + lanes % (NPAD - N)]).reshape(NW, NCHUNK, K)

    degw = _deg_kernel(dst)
    dinv_lane = _tca(degw.reshape(NW, NPAD // 128, 128))
    dinv = dinv_lane.reshape(NPAD)[:N].reshape(N, 1)

    zeros = jnp.zeros((NPAD, D), jnp.float32)
    u1 = _tc1(x, W1, dinv)
    p = _prop_kernel(u1, src, dst, zeros)
    u2 = _tc2(p, u1, dinv, b1, W2)
    q = _prop_kernel(u2, src, dst, zeros)
    return _tc3(q, u2, dinv, b2)

# --- scband reference (transcript-rebuilt; emitter-appended) ---
"""Pipeline reference for scband-surrogate-model-18537078849575 (READ-ONLY COPY).

The authoritative reference and input builder live on the scoring server;
editing this copy changes nothing except your own understanding.
"""

import jax, jax.numpy as jnp
import numpy as np

N_NODES = 10000
N_EDGES = 320000
D_IN = 128
D_HID = 128
D_OUT = 128


def setup_inputs(seed: int = 0) -> dict:
    key = jax.random.key(seed)
    k1, k2, k3, k4, k5, k6 = jax.random.split(key, 6)
    x = jax.random.normal(k1, (N_NODES, D_IN), dtype=jnp.float32)
    edge_index = jax.random.randint(k2, (2, N_EDGES), 0, N_NODES, dtype=jnp.int64)
    # Glorot-style init for GCN weights
    s1 = (6.0 / (D_IN + D_HID)) ** 0.5
    W1 = jax.random.uniform(k3, (D_IN, D_HID), dtype=jnp.float32, minval=-s1, maxval=s1)
    b1 = jnp.zeros((D_HID,), dtype=jnp.float32)
    s2 = (6.0 / (D_HID + D_OUT)) ** 0.5
    W2 = jax.random.uniform(k4, (D_HID, D_OUT), dtype=jnp.float32, minval=-s2, maxval=s2)
    b2 = jnp.zeros((D_OUT,), dtype=jnp.float32)
    return {"x": x, "edge_index": edge_index, "W1": W1, "b1": b1, "W2": W2, "b2": b2}


def _gcn_conv(x, src, dst, W, b, num_nodes):
    # symmetric normalization with self-loops (GCNConv default)
    loop = jnp.arange(num_nodes, dtype=src.dtype)
    src_f = jnp.concatenate([src, loop])
    dst_f = jnp.concatenate([dst, loop])
    deg = jnp.zeros((num_nodes,), dtype=x.dtype).at[dst_f].add(1.0)
    deg_inv_sqrt = jnp.where(deg > 0, jax.lax.rsqrt(jnp.maximum(deg, 1e-12)), 0.0)
    norm = deg_inv_sqrt[src_f] * deg_inv_sqrt[dst_f]
    xw = x @ W
    msgs = jnp.take(xw, src_f, axis=0) * norm[:, None]
    out = jnp.zeros((num_nodes, W.shape[1]), dtype=x.dtype).at[dst_f].add(msgs)
    return out + b


def reference(x, edge_index, W1, b1, W2, b2):
    src = edge_index[0]
    dst = edge_index[1]
    h = _gcn_conv(x, src, dst, W1, b1, N_NODES)
    h = jax.nn.relu(h)
    # dropout is identity in eval mode
    out = _gcn_conv(h, src, dst, W2, b2, N_NODES)
    return jax.nn.softmax(out, axis=1)

if __name__ == "__main__":
    import jax
    _d = setup_inputs()
    print(jax.jit(kernel)(*tuple(_d.values())))

</pallas_src>

<mosaic_0001>
#map = affine_map<(d0, d1) -> (0, 0)>
#map1 = affine_map<(d0, d1) -> (0)>
#map2 = affine_map<(d0, d1) -> (0, 0, 0)>
module attributes {stable_mosaic.version = 14 : i64} {
  func.func @_prop_body(%arg0: i32, %arg1: i32, %arg2: memref<10000x128xf32, #tpu.memory_space<hbm>>, %arg3: memref<322560xi32, #tpu.memory_space<hbm>>, %arg4: memref<32x105x96xi32, #tpu.memory_space<hbm>>, %arg5: memref<10112x128xf32, #tpu.memory_space<hbm>>, %arg6: memref<2x10112x128xf32, #tpu.memory_space<hbm>>, %arg7: memref<10080xi32, #tpu.memory_space<vmem>>, %arg8: memref<105x96xi32, #tpu.memory_space<vmem>>, %arg9: memref<96x128xf32, #tpu.memory_space<vmem>>, %arg10: memref<96x128xf32, #tpu.memory_space<vmem>>, %arg11: memref<10112x128xf32, #tpu.memory_space<vmem_shared>>, %arg12: memref<!tpu.dma_semaphore, #tpu.memory_space<semaphore_mem>>, %arg13: memref<!tpu.dma_semaphore, #tpu.memory_space<semaphore_mem>>) attributes {dimension_semantics = [#tpu.dimension_semantics<core_parallel>, #tpu.dimension_semantics<subcore_parallel>], iteration_bounds = array<i64: 2, 16>, scalar_prefetch = 0 : i64, scratch_operands = 7 : i64, tpu.core_type = #tpu.core_type<sc_vector_subcore>, window_params = [{transform_indices = #map}, {transform_indices = #map1}, {transform_indices = #map2}, {transform_indices = #map}, {transform_indices = #map2}]} {
    %mul3A = arith.constant 2 : i32
    %mul3A_0 = arith.muli %arg1, %mul3A : i32
    %add3A = arith.addi %mul3A_0, %arg0 : i32
    %mul3A_1 = arith.constant 10080 : i32
    %mul3A_2 = arith.muli %add3A, %mul3A_1 : i32
    "tpu.region"() ({
      %run_scoped3A_18 = tpu.sem_alloc : memref<!tpu.dma_semaphore, #tpu.memory_space<semaphore_mem>>
      %dma_start3A_19 = tpu.memref_slice %arg3[%mul3A_2] : memref<322560xi32, #tpu.memory_space<hbm>> -> memref<10080xi32, #tpu.memory_space<hbm>>
      %dma_start3A_20 = tpu.memref_slice %arg3[%mul3A_2] : memref<322560xi32, #tpu.memory_space<hbm>> -> memref<10080xi32, #tpu.memory_space<hbm>>
      tpu.enqueue_dma source(%dma_start3A_20 : memref<10080xi32, #tpu.memory_space<hbm>>) target(%arg7 : memref<10080xi32, #tpu.memory_space<vmem>>) target_semaphore(%run_scoped3A_18 : memref<!tpu.dma_semaphore, #tpu.memory_space<semaphore_mem>>)
      %dma_wait3A_21 = tpu.memref_slice %arg3[%mul3A_2] : memref<322560xi32, #tpu.memory_space<hbm>> -> memref<10080xi32, #tpu.memory_space<hbm>>
      %dma_wait3A_22 = tpu.memref_slice %arg3[%mul3A_2] : memref<322560xi32, #tpu.memory_space<hbm>> -> memref<10080xi32, #tpu.memory_space<hbm>>
      tpu.wait_dma2 semaphore(%run_scoped3A_18 : memref<!tpu.dma_semaphore, #tpu.memory_space<semaphore_mem>>) src(%dma_wait3A_22 : memref<10080xi32, #tpu.memory_space<hbm>>) dst(%arg7 : memref<10080xi32, #tpu.memory_space<vmem>>)
      tpu.yield
    }) : () -> ()
    "tpu.region"() ({
      %run_scoped3A_18 = tpu.sem_alloc : memref<!tpu.dma_semaphore, #tpu.memory_space<semaphore_mem>>
      %dma_start3A_19 = arith.constant 0 : i32
      %dma_start3A_20 = arith.constant 0 : i32
      %dma_start3A_21 = tpu.memref_slice %arg4[%add3A, %dma_start3A_19, %dma_start3A_20] : memref<32x105x96xi32, #tpu.memory_space<hbm>> -> memref<1x105x96xi32, #tpu.memory_space<hbm>>
      %dma_start3A_22 = tpu.memref_squeeze %dma_start3A_21 : memref<1x105x96xi32, #tpu.memory_space<hbm>> -> memref<105x96xi32, #tpu.memory_space<hbm>>
      %dma_start3A_23 = arith.constant 0 : i32
      %dma_start3A_24 = arith.constant 0 : i32
      %dma_start3A_25 = tpu.memref_slice %arg4[%add3A, %dma_start3A_23, %dma_start3A_24] : memref<32x105x96xi32, #tpu.memory_space<hbm>> -> memref<1x105x96xi32, #tpu.memory_space<hbm>>
      %dma_start3A_26 = tpu.memref_squeeze %dma_start3A_25 : memref<1x105x96xi32, #tpu.memory_space<hbm>> -> memref<105x96xi32, #tpu.memory_space<hbm>>
      tpu.enqueue_dma source(%dma_start3A_26 : memref<105x96xi32, #tpu.memory_space<hbm>>) target(%arg8 : memref<105x96xi32, #tpu.memory_space<vmem>>) target_semaphore(%run_scoped3A_18 : memref<!tpu.dma_semaphore, #tpu.memory_space<semaphore_mem>>)
      %dma_wait3A_27 = arith.constant 0 : i32
      %dma_wait3A_28 = arith.constant 0 : i32
      %dma_wait3A_29 = tpu.memref_slice %arg4[%add3A, %dma_wait3A_27, %dma_wait3A_28] : memref<32x105x96xi32, #tpu.memory_space<hbm>> -> memref<1x105x96xi32, #tpu.memory_space<hbm>>
      %dma_wait3A_30 = tpu.memref_squeeze %dma_wait3A_29 : memref<1x105x96xi32, #tpu.memory_space<hbm>> -> memref<105x96xi32, #tpu.memory_space<hbm>>
      %dma_wait3A_31 = arith.constant 0 : i32
      %dma_wait3A_32 = arith.constant 0 : i32
      %dma_wait3A_33 = tpu.memref_slice %arg4[%add3A, %dma_wait3A_31, %dma_wait3A_32] : memref<32x105x96xi32, #tpu.memory_space<hbm>> -> memref<1x105x96xi32, #tpu.memory_space<hbm>>
      %dma_wait3A_34 = tpu.memref_squeeze %dma_wait3A_33 : memref<1x105x96xi32, #tpu.memory_space<hbm>> -> memref<105x96xi32, #tpu.memory_space<hbm>>
      tpu.wait_dma2 semaphore(%run_scoped3A_18 : memref<!tpu.dma_semaphore, #tpu.memory_space<semaphore_mem>>) src(%dma_wait3A_34 : memref<105x96xi32, #tpu.memory_space<hbm>>) dst(%arg8 : memref<105x96xi32, #tpu.memory_space<vmem>>)
      tpu.yield
    }) : () -> ()
    %mul3A_3 = arith.constant 632 : i32
    %mul3A_4 = arith.muli %arg1, %mul3A_3 : i32
    "tpu.region"() ({
      %run_scoped3A_18 = tpu.sem_alloc : memref<!tpu.dma_semaphore, #tpu.memory_space<semaphore_mem>>
      %dma_start3A_19 = arith.constant 0 : i32
      %dma_start3A_20 = tpu.memref_slice %arg11[%mul3A_4, %dma_start3A_19] : memref<10112x128xf32, #tpu.memory_space<vmem_shared>> -> memref<632x128xf32, #tpu.memory_space<vmem_shared>>
      %dma_start3A_21 = arith.constant 0 : i32
      %dma_start3A_22 = tpu.memref_slice %arg5[%mul3A_4, %dma_start3A_21] : memref<10112x128xf32, #tpu.memory_space<hbm>> -> memref<632x128xf32, #tpu.memory_space<hbm>>
      tpu.enqueue_dma source(%dma_start3A_22 : memref<632x128xf32, #tpu.memory_space<hbm>>) target(%dma_start3A_20 : memref<632x128xf32, #tpu.memory_space<vmem_shared>>) target_semaphore(%run_scoped3A_18 : memref<!tpu.dma_semaphore, #tpu.memory_space<semaphore_mem>>)
      %dma_wait3A_23 = arith.constant 0 : i32
      %dma_wait3A_24 = tpu.memref_slice %arg11[%mul3A_4, %dma_wait3A_23] : memref<10112x128xf32, #tpu.memory_space<vmem_shared>> -> memref<632x128xf32, #tpu.memory_space<vmem_shared>>
      %dma_wait3A_25 = arith.constant 0 : i32
      %dma_wait3A_26 = tpu.memref_slice %arg5[%mul3A_4, %dma_wait3A_25] : memref<10112x128xf32, #tpu.memory_space<hbm>> -> memref<632x128xf32, #tpu.memory_space<hbm>>
      tpu.wait_dma2 semaphore(%run_scoped3A_18 : memref<!tpu.dma_semaphore, #tpu.memory_space<semaphore_mem>>) src(%dma_wait3A_26 : memref<632x128xf32, #tpu.memory_space<hbm>>) dst(%dma_wait3A_24 : memref<632x128xf32, #tpu.memory_space<vmem_shared>>)
      tpu.yield
    }) : () -> ()
    %barrier3A = arith.constant 0 : index
    tpu.barrier barrier_id(%barrier3A)
    %dma_start3A = arith.constant 0 : i32
    %dma_start3A_5 = tpu.memref_slice %arg7[%dma_start3A] : memref<10080xi32, #tpu.memory_space<vmem>> -> memref<96xi32, #tpu.memory_space<vmem>>
    %dma_start3A_6 = arith.constant 0 : i32
    %dma_start3A_7 = arith.constant 0 : i32
    %dma_start3A_8 = tpu.memref_slice %arg2[%dma_start3A_6, %dma_start3A_7] : memref<10000x128xf32, #tpu.memory_space<hbm>> -> memref<10000x128xf32, #tpu.memory_space<hbm>>
    tpu.enqueue_indirect_dma source(%dma_start3A_8 : memref<10000x128xf32, #tpu.memory_space<hbm>>) target(%arg9 : memref<96x128xf32, #tpu.memory_space<vmem>>) offsets(%dma_start3A_5 : memref<96xi32, #tpu.memory_space<vmem>>) semaphore(%arg12 : memref<!tpu.dma_semaphore, #tpu.memory_space<semaphore_mem>>)
    %scan3A = arith.constant 0 : i32
    %scan3A_9 = arith.constant 52 : i32
    %scan3A_10 = arith.addi %scan3A, %scan3A_9 : i32
    %scan3A_11 = arith.constant 1 : i32
    scf.for %scan3A_18 = %scan3A to %scan3A_10 step %scan3A_11  : i32 {
      %mul3A_19 = arith.constant 1 : i32
      %mul3A_20 = arith.muli %scan3A_18, %mul3A_19 : i32
      %add3A_21 = arith.constant 0 : i32
      %add3A_22 = arith.addi %add3A_21, %mul3A_20 : i32
      %mul3A_23 = arith.constant 2 : i32
      %mul3A_24 = arith.muli %add3A_22, %mul3A_23 : i32
      %add3A_25 = arith.constant 1 : i32
      %add3A_26 = arith.addi %mul3A_24, %add3A_25 : i32
      %mul3A_27 = arith.constant 96 : i32
      %mul3A_28 = arith.muli %add3A_26, %mul3A_27 : i32
      %dma_start3A_29 = tpu.memref_slice %arg7[%mul3A_28] : memref<10080xi32, #tpu.memory_space<vmem>> -> memref<96xi32, #tpu.memory_space<vmem>>
      %dma_start3A_30 = arith.constant 0 : i32
      %dma_start3A_31 = arith.constant 0 : i32
      %dma_start3A_32 = tpu.memref_slice %arg2[%dma_start3A_30, %dma_start3A_31] : memref<10000x128xf32, #tpu.memory_space<hbm>> -> memref<10000x128xf32, #tpu.memory_space<hbm>>
      tpu.enqueue_indirect_dma source(%dma_start3A_32 : memref<10000x128xf32, #tpu.memory_space<hbm>>) target(%arg10 : memref<96x128xf32, #tpu.memory_space<vmem>>) offsets(%dma_start3A_29 : memref<96xi32, #tpu.memory_space<vmem>>) semaphore(%arg13 : memref<!tpu.dma_semaphore, #tpu.memory_space<semaphore_mem>>)
      %mul3A_33 = arith.constant 96 : i32
      %mul3A_34 = arith.muli %mul3A_24, %mul3A_33 : i32
      %dma_wait3A_35 = tpu.memref_slice %arg7[%mul3A_34] : memref<10080xi32, #tpu.memory_space<vmem>> -> memref<96xi32, #tpu.memory_space<vmem>>
      %dma_wait3A_36 = arith.constant 0 : i32
      %dma_wait3A_37 = arith.constant 0 : i32
      %dma_wait3A_38 = tpu.memref_slice %arg2[%dma_wait3A_36, %dma_wait3A_37] : memref<10000x128xf32, #tpu.memory_space<hbm>> -> memref<10000x128xf32, #tpu.memory_space<hbm>>
      tpu.wait_indirect_dma semaphore(%arg12 : memref<!tpu.dma_semaphore, #tpu.memory_space<semaphore_mem>>) src(%dma_wait3A_38 : memref<10000x128xf32, #tpu.memory_space<hbm>>) dst(%arg9 : memref<96x128xf32, #tpu.memory_space<vmem>>)
      "tpu.region"() ({
        %run_scoped3A_53 = tpu.sem_alloc : memref<!tpu.dma_semaphore, #tpu.memory_space<semaphore_mem>>
        %dma_start3A_54 = arith.constant 0 : i32
        %dma_start3A_55 = tpu.memref_slice %arg8[%mul3A_24, %dma_start3A_54] : memref<105x96xi32, #tpu.memory_space<vmem>> -> memref<1x96xi32, #tpu.memory_space<vmem>>
        %dma_start3A_56 = tpu.memref_squeeze %dma_start3A_55 : memref<1x96xi32, #tpu.memory_space<vmem>> -> memref<96xi32, #tpu.memory_space<vmem>>
        %dma_start3A_57 = arith.constant 0 : i32
        %dma_start3A_58 = arith.constant 0 : i32
        %dma_start3A_59 = tpu.memref_slice %arg11[%dma_start3A_57, %dma_start3A_58] : memref<10112x128xf32, #tpu.memory_space<vmem_shared>> -> memref<10112x128xf32, #tpu.memory_space<vmem_shared>>
        tpu.enqueue_indirect_dma source(%arg9 : memref<96x128xf32, #tpu.memory_space<vmem>>) target(%dma_start3A_59 : memref<10112x128xf32, #tpu.memory_space<vmem_shared>>) offsets(%dma_start3A_56 : memref<96xi32, #tpu.memory_space<vmem>>) semaphore(%run_scoped3A_53 : memref<!tpu.dma_semaphore, #tpu.memory_space<semaphore_mem>>) {add = true}
        %dma_wait3A_60 = arith.constant 0 : i32
        %dma_wait3A_61 = tpu.memref_slice %arg8[%mul3A_24, %dma_wait3A_60] : memref<105x96xi32, #tpu.memory_space<vmem>> -> memref<1x96xi32, #tpu.memory_space<vmem>>
        %dma_wait3A_62 = tpu.memref_squeeze %dma_wait3A_61 : memref<1x96xi32, #tpu.memory_space<vmem>> -> memref<96xi32, #tpu.memory_space<vmem>>
        %dma_wait3A_63 = arith.constant 0 : i32
        %dma_wait3A_64 = arith.constant 0 : i32
        %dma_wait3A_65 = tpu.memref_slice %arg11[%dma_wait3A_63, %dma_wait3A_64] : memref<10112x128xf32, #tpu.memory_space<vmem_shared>> -> memref<10112x128xf32, #tpu.memory_space<vmem_shared>>
        tpu.wait_indirect_dma semaphore(%run_scoped3A_53 : memref<!tpu.dma_semaphore, #tpu.memory_space<semaphore_mem>>) src(%arg9 : memref<96x128xf32, #tpu.memory_space<vmem>>) dst(%dma_wait3A_65 : memref<10112x128xf32, #tpu.memory_space<vmem_shared>>)
        tpu.yield
      }) : () -> ()
      %add3A_39 = arith.constant 2 : i32
      %add3A_40 = arith.addi %mul3A_24, %add3A_39 : i32
      %mul3A_41 = arith.constant 96 : i32
      %mul3A_42 = arith.muli %add3A_40, %mul3A_41 : i32
      %dma_start3A_43 = tpu.memref_slice %arg7[%mul3A_42] : memref<10080xi32, #tpu.memory_space<vmem>> -> memref<96xi32, #tpu.memory_space<vmem>>
      %dma_start3A_44 = arith.constant 0 : i32
      %dma_start3A_45 = arith.constant 0 : i32
      %dma_start3A_46 = tpu.memref_slice %arg2[%dma_start3A_44, %dma_start3A_45] : memref<10000x128xf32, #tpu.memory_space<hbm>> -> memref<10000x128xf32, #tpu.memory_space<hbm>>
      tpu.enqueue_indirect_dma source(%dma_start3A_46 : memref<10000x128xf32, #tpu.memory_space<hbm>>) target(%arg9 : memref<96x128xf32, #tpu.memory_space<vmem>>) offsets(%dma_start3A_43 : memref<96xi32, #tpu.memory_space<vmem>>) semaphore(%arg12 : memref<!tpu.dma_semaphore, #tpu.memory_space<semaphore_mem>>)
      %mul3A_47 = arith.constant 96 : i32
      %mul3A_48 = arith.muli %add3A_26, %mul3A_47 : i32
      %dma_wait3A_49 = tpu.memref_slice %arg7[%mul3A_48] : memref<10080xi32, #tpu.memory_space<vmem>> -> memref<96xi32, #tpu.memory_space<vmem>>
      %dma_wait3A_50 = arith.constant 0 : i32
      %dma_wait3A_51 = arith.constant 0 : i32
      %dma_wait3A_52 = tpu.memref_slice %arg2[%dma_wait3A_50, %dma_wait3A_51] : memref<10000x128xf32, #tpu.memory_space<hbm>> -> memref<10000x128xf32, #tpu.memory_space<hbm>>
      tpu.wait_indirect_dma semaphore(%arg13 : memref<!tpu.dma_semaphore, #tpu.memory_space<semaphore_mem>>) src(%dma_wait3A_52 : memref<10000x128xf32, #tpu.memory_space<hbm>>) dst(%arg10 : memref<96x128xf32, #tpu.memory_space<vmem>>)
      "tpu.region"() ({
        %run_scoped3A_53 = tpu.sem_alloc : memref<!tpu.dma_semaphore, #tpu.memory_space<semaphore_mem>>
        %dma_start3A_54 = arith.constant 0 : i32
        %dma_start3A_55 = tpu.memref_slice %arg8[%add3A_26, %dma_start3A_54] : memref<105x96xi32, #tpu.memory_space<vmem>> -> memref<1x96xi32, #tpu.memory_space<vmem>>
        %dma_start3A_56 = tpu.memref_squeeze %dma_start3A_55 : memref<1x96xi32, #tpu.memory_space<vmem>> -> memref<96xi32, #tpu.memory_space<vmem>>
        %dma_start3A_57 = arith.constant 0 : i32
        %dma_start3A_58 = arith.constant 0 : i32
        %dma_start3A_59 = tpu.memref_slice %arg11[%dma_start3A_57, %dma_start3A_58] : memref<10112x128xf32, #tpu.memory_space<vmem_shared>> -> memref<10112x128xf32, #tpu.memory_space<vmem_shared>>
        tpu.enqueue_indirect_dma source(%arg10 : memref<96x128xf32, #tpu.memory_space<vmem>>) target(%dma_start3A_59 : memref<10112x128xf32, #tpu.memory_space<vmem_shared>>) offsets(%dma_start3A_56 : memref<96xi32, #tpu.memory_space<vmem>>) semaphore(%run_scoped3A_53 : memref<!tpu.dma_semaphore, #tpu.memory_space<semaphore_mem>>) {add = true}
        %dma_wait3A_60 = arith.constant 0 : i32
        %dma_wait3A_61 = tpu.memref_slice %arg8[%add3A_26, %dma_wait3A_60] : memref<105x96xi32, #tpu.memory_space<vmem>> -> memref<1x96xi32, #tpu.memory_space<vmem>>
        %dma_wait3A_62 = tpu.memref_squeeze %dma_wait3A_61 : memref<1x96xi32, #tpu.memory_space<vmem>> -> memref<96xi32, #tpu.memory_space<vmem>>
        %dma_wait3A_63 = arith.constant 0 : i32
        %dma_wait3A_64 = arith.constant 0 : i32
        %dma_wait3A_65 = tpu.memref_slice %arg11[%dma_wait3A_63, %dma_wait3A_64] : memref<10112x128xf32, #tpu.memory_space<vmem_shared>> -> memref<10112x128xf32, #tpu.memory_space<vmem_shared>>
        tpu.wait_indirect_dma semaphore(%run_scoped3A_53 : memref<!tpu.dma_semaphore, #tpu.memory_space<semaphore_mem>>) src(%arg10 : memref<96x128xf32, #tpu.memory_space<vmem>>) dst(%dma_wait3A_65 : memref<10112x128xf32, #tpu.memory_space<vmem_shared>>)
        tpu.yield
      }) : () -> ()
    }
    %scan3A_12 = arith.constant 52 : i32
    %dma_wait3A = arith.constant 9984 : i32
    %dma_wait3A_13 = tpu.memref_slice %arg7[%dma_wait3A] : memref<10080xi32, #tpu.memory_space<vmem>> -> memref<96xi32, #tpu.memory_space<vmem>>
    %dma_wait3A_14 = arith.constant 0 : i32
    %dma_wait3A_15 = arith.constant 0 : i32
    %dma_wait3A_16 = tpu.memref_slice %arg2[%dma_wait3A_14, %dma_wait3A_15] : memref<10000x128xf32, #tpu.memory_space<hbm>> -> memref<10000x128xf32, #tpu.memory_space<hbm>>
    tpu.wait_indirect_dma semaphore(%arg12 : memref<!tpu.dma_semaphore, #tpu.memory_space<semaphore_mem>>) src(%dma_wait3A_16 : memref<10000x128xf32, #tpu.memory_space<hbm>>) dst(%arg9 : memref<96x128xf32, #tpu.memory_space<vmem>>)
    %run_scoped3A = arith.constant 104 : i32
    "tpu.region"() ({
      %run_scoped3A_18 = tpu.sem_alloc : memref<!tpu.dma_semaphore, #tpu.memory_space<semaphore_mem>>
      %dma_start3A_19 = arith.constant 0 : i32
      %dma_start3A_20 = tpu.memref_slice %arg8[%run_scoped3A, %dma_start3A_19] : memref<105x96xi32, #tpu.memory_space<vmem>> -> memref<1x96xi32, #tpu.memory_space<vmem>>
      %dma_start3A_21 = tpu.memref_squeeze %dma_start3A_20 : memref<1x96xi32, #tpu.memory_space<vmem>> -> memref<96xi32, #tpu.memory_space<vmem>>
      %dma_start3A_22 = arith.constant 0 : i32
      %dma_start3A_23 = arith.constant 0 : i32
      %dma_start3A_24 = tpu.memref_slice %arg11[%dma_start3A_22, %dma_start3A_23] : memref<10112x128xf32, #tpu.memory_space<vmem_shared>> -> memref<10112x128xf32, #tpu.memory_space<vmem_shared>>
      tpu.enqueue_indirect_dma source(%arg9 : memref<96x128xf32, #tpu.memory_space<vmem>>) target(%dma_start3A_24 : memref<10112x128xf32, #tpu.memory_space<vmem_shared>>) offsets(%dma_start3A_21 : memref<96xi32, #tpu.memory_space<vmem>>) semaphore(%run_scoped3A_18 : memref<!tpu.dma_semaphore, #tpu.memory_space<semaphore_mem>>) {add = true}
      %dma_wait3A_25 = arith.constant 0 : i32
      %dma_wait3A_26 = tpu.memref_slice %arg8[%run_scoped3A, %dma_wait3A_25] : memref<105x96xi32, #tpu.memory_space<vmem>> -> memref<1x96xi32, #tpu.memory_space<vmem>>
      %dma_wait3A_27 = tpu.memref_squeeze %dma_wait3A_26 : memref<1x96xi32, #tpu.memory_space<vmem>> -> memref<96xi32, #tpu.memory_space<vmem>>
      %dma_wait3A_28 = arith.constant 0 : i32
      %dma_wait3A_29 = arith.constant 0 : i32
      %dma_wait3A_30 = tpu.memref_slice %arg11[%dma_wait3A_28, %dma_wait3A_29] : memref<10112x128xf32, #tpu.memory_space<vmem_shared>> -> memref<10112x128xf32, #tpu.memory_space<vmem_shared>>
      tpu.wait_indirect_dma semaphore(%run_scoped3A_18 : memref<!tpu.dma_semaphore, #tpu.memory_space<semaphore_mem>>) src(%arg9 : memref<96x128xf32, #tpu.memory_space<vmem>>) dst(%dma_wait3A_30 : memref<10112x128xf32, #tpu.memory_space<vmem_shared>>)
      tpu.yield
    }) : () -> ()
    %barrier3A_17 = arith.constant 0 : index
    tpu.barrier barrier_id(%barrier3A_17)
    "tpu.region"() ({
      %run_scoped3A_18 = tpu.sem_alloc : memref<!tpu.dma_semaphore, #tpu.memory_space<semaphore_mem>>
      %dma_start3A_19 = arith.constant 0 : i32
      %dma_start3A_20 = tpu.memref_slice %arg6[%arg0, %mul3A_4, %dma_start3A_19] : memref<2x10112x128xf32, #tpu.memory_space<hbm>> -> memref<1x632x128xf32, #tpu.memory_space<hbm>>
      %dma_start3A_21 = tpu.memref_squeeze %dma_start3A_20 : memref<1x632x128xf32, #tpu.memory_space<hbm>> -> memref<632x128xf32, #tpu.memory_space<hbm>>
      %dma_start3A_22 = arith.constant 0 : i32
      %dma_start3A_23 = tpu.memref_slice %arg11[%mul3A_4, %dma_start3A_22] : memref<10112x128xf32, #tpu.memory_space<vmem_shared>> -> memref<632x128xf32, #tpu.memory_space<vmem_shared>>
      tpu.enqueue_dma source(%dma_start3A_23 : memref<632x128xf32, #tpu.memory_space<vmem_shared>>) target(%dma_start3A_21 : memref<632x128xf32, #tpu.memory_space<hbm>>) target_semaphore(%run_scoped3A_18 : memref<!tpu.dma_semaphore, #tpu.memory_space<semaphore_mem>>)
      %dma_wait3A_24 = arith.constant 0 : i32
      %dma_wait3A_25 = tpu.memref_slice %arg6[%arg0, %mul3A_4, %dma_wait3A_24] : memref<2x10112x128xf32, #tpu.memory_space<hbm>> -> memref<1x632x128xf32, #tpu.memory_space<hbm>>
      %dma_wait3A_26 = tpu.memref_squeeze %dma_wait3A_25 : memref<1x632x128xf32, #tpu.memory_space<hbm>> -> memref<632x128xf32, #tpu.memory_space<hbm>>
      %dma_wait3A_27 = arith.constant 0 : i32
      %dma_wait3A_28 = tpu.memref_slice %arg11[%mul3A_4, %dma_wait3A_27] : memref<10112x128xf32, #tpu.memory_space<vmem_shared>> -> memref<632x128xf32, #tpu.memory_space<vmem_shared>>
      tpu.wait_dma2 semaphore(%run_scoped3A_18 : memref<!tpu.dma_semaphore, #tpu.memory_space<semaphore_mem>>) src(%dma_wait3A_28 : memref<632x128xf32, #tpu.memory_space<vmem_shared>>) dst(%dma_wait3A_26 : memref<632x128xf32, #tpu.memory_space<hbm>>)
      tpu.yield
    }) : () -> ()
    return
  }
}

#map = affine_map<(d0, d1) -> (0, 0, 0)>
#map1 = affine_map<(d0, d1) -> (0)>
module attributes {stable_mosaic.version = 14 : i64} {
  func.func @_deg_body(%arg0: i32, %arg1: i32, %arg2: memref<32x105x96xi32, #tpu.memory_space<hbm>>, %arg3: memref<323584xf32, #tpu.memory_space<hbm>>, %arg4: memref<105x96xi32, #tpu.memory_space<vmem>>, %arg5: memref<10112xf32, #tpu.memory_space<vmem>>) attributes {dimension_semantics = [#tpu.dimension_semantics<core_parallel>, #tpu.dimension_semantics<subcore_parallel>], iteration_bounds = array<i64: 2, 16>, scalar_prefetch = 0 : i64, scratch_operands = 2 : i64, tpu.core_type = #tpu.core_type<sc_vector_subcore>, window_params = [{transform_indices = #map}, {transform_indices = #map1}]} {
    %mul3A = arith.constant 2 : i32
    %mul3A_0 = arith.muli %arg1, %mul3A : i32
    %add3A = arith.addi %mul3A_0, %arg0 : i32
    "tpu.region"() ({
      %run_scoped3A = tpu.sem_alloc : memref<!tpu.dma_semaphore, #tpu.memory_space<semaphore_mem>>
      %dma_start3A = arith.constant 0 : i32
      %dma_start3A_15 = arith.constant 0 : i32
      %dma_start3A_16 = tpu.memref_slice %arg2[%add3A, %dma_start3A, %dma_start3A_15] : memref<32x105x96xi32, #tpu.memory_space<hbm>> -> memref<1x105x96xi32, #tpu.memory_space<hbm>>
      %dma_start3A_17 = tpu.memref_squeeze %dma_start3A_16 : memref<1x105x96xi32, #tpu.memory_space<hbm>> -> memref<105x96xi32, #tpu.memory_space<hbm>>
      %dma_start3A_18 = arith.constant 0 : i32
      %dma_start3A_19 = arith.constant 0 : i32
      %dma_start3A_20 = tpu.memref_slice %arg2[%add3A, %dma_start3A_18, %dma_start3A_19] : memref<32x105x96xi32, #tpu.memory_space<hbm>> -> memref<1x105x96xi32, #tpu.memory_space<hbm>>
      %dma_start3A_21 = tpu.memref_squeeze %dma_start3A_20 : memref<1x105x96xi32, #tpu.memory_space<hbm>> -> memref<105x96xi32, #tpu.memory_space<hbm>>
      tpu.enqueue_dma source(%dma_start3A_21 : memref<105x96xi32, #tpu.memory_space<hbm>>) target(%arg4 : memref<105x96xi32, #tpu.memory_space<vmem>>) target_semaphore(%run_scoped3A : memref<!tpu.dma_semaphore, #tpu.memory_space<semaphore_mem>>)
      %dma_wait3A = arith.constant 0 : i32
      %dma_wait3A_22 = arith.constant 0 : i32
      %dma_wait3A_23 = tpu.memref_slice %arg2[%add3A, %dma_wait3A, %dma_wait3A_22] : memref<32x105x96xi32, #tpu.memory_space<hbm>> -> memref<1x105x96xi32, #tpu.memory_space<hbm>>
      %dma_wait3A_24 = tpu.memref_squeeze %dma_wait3A_23 : memref<1x105x96xi32, #tpu.memory_space<hbm>> -> memref<105x96xi32, #tpu.memory_space<hbm>>
      %dma_wait3A_25 = arith.constant 0 : i32
      %dma_wait3A_26 = arith.constant 0 : i32
      %dma_wait3A_27 = tpu.memref_slice %arg2[%add3A, %dma_wait3A_25, %dma_wait3A_26] : memref<32x105x96xi32, #tpu.memory_space<hbm>> -> memref<1x105x96xi32, #tpu.memory_space<hbm>>
      %dma_wait3A_28 = tpu.memref_squeeze %dma_wait3A_27 : memref<1x105x96xi32, #tpu.memory_space<hbm>> -> memref<105x96xi32, #tpu.memory_space<hbm>>
      tpu.wait_dma2 semaphore(%run_scoped3A : memref<!tpu.dma_semaphore, #tpu.memory_space<semaphore_mem>>) src(%dma_wait3A_28 : memref<105x96xi32, #tpu.memory_space<hbm>>) dst(%arg4 : memref<105x96xi32, #tpu.memory_space<vmem>>)
      tpu.yield
    }) : () -> ()
    %broadcast_in_dim3A = arith.constant 0.000000e+00 : f32
    %broadcast_in_dim3A_1 = vector.broadcast %broadcast_in_dim3A : f32 to vector<16xf32>
    %broadcast_in_dim3A_2 = arith.constant 1.000000e+00 : f32
    %broadcast_in_dim3A_3 = vector.broadcast %broadcast_in_dim3A_2 : f32 to vector<16xf32>
    %scan3A = arith.constant 0 : i32
    %scan3A_4 = arith.constant 632 : i32
    %scan3A_5 = arith.addi %scan3A, %scan3A_4 : i32
    %scan3A_6 = arith.constant 1 : i32
    scf.for %scan3A_15 = %scan3A to %scan3A_5 step %scan3A_6  : i32 {
      %mul3A_16 = arith.constant 1 : i32
      %mul3A_17 = arith.muli %scan3A_15, %mul3A_16 : i32
      %add3A_18 = arith.constant 0 : i32
      %add3A_19 = arith.addi %add3A_18, %mul3A_17 : i32
      %mul3A_20 = arith.constant 16 : i32
      %mul3A_21 = arith.muli %add3A_19, %mul3A_20 : i32
      %swap3A = arith.index_cast %mul3A_21 : i32 to index
      %swap3A_22 = tpu.vector_load %arg5[%swap3A] {strides = array<i32>} : memref<10112xf32, #tpu.memory_space<vmem>>, vector<16xf32>,
      tpu.vector_store %arg5[%swap3A], %broadcast_in_dim3A_1 {strides = array<i32>} : memref<10112xf32, #tpu.memory_space<vmem>>, vector<16xf32>,
    }
    %scan3A_7 = arith.constant 632 : i32
    %scan3A_8 = arith.constant 0 : i32
    %scan3A_9 = arith.constant 105 : i32
    %scan3A_10 = arith.addi %scan3A_8, %scan3A_9 : i32
    %scan3A_11 = arith.constant 1 : i32
    scf.for %scan3A_15 = %scan3A_8 to %scan3A_10 step %scan3A_11  : i32 {
      %mul3A_16 = arith.constant 1 : i32
      %mul3A_17 = arith.muli %scan3A_15, %mul3A_16 : i32
      %add3A_18 = arith.constant 0 : i32
      %add3A_19 = arith.addi %add3A_18, %mul3A_17 : i32
      %get3A = arith.index_cast %add3A_19 : i32 to index
      %get3A_20 = arith.constant 0 : index
      %get3A_21 = tpu.vector_load %arg4[%get3A, %get3A_20] {strides = array<i32>} : memref<105x96xi32, #tpu.memory_space<vmem>>, vector<16xi32>,
      tpu.vector_store_idx %arg5[%get3A_21], %broadcast_in_dim3A_3 {add = true} : memref<10112xf32, #tpu.memory_space<vmem>>[vector<16xi32>], vector<16xf32>,
      %get3A_22 = arith.index_cast %add3A_19 : i32 to index
      %get3A_23 = arith.constant 16 : index
      %get3A_24 = tpu.vector_load %arg4[%get3A_22, %get3A_23] {strides = array<i32>} : memref<105x96xi32, #tpu.memory_space<vmem>>, vector<16xi32>,
      tpu.vector_store_idx %arg5[%get3A_24], %broadcast_in_dim3A_3 {add = true} : memref<10112xf32, #tpu.memory_space<vmem>>[vector<16xi32>], vector<16xf32>,
      %get3A_25 = arith.index_cast %add3A_19 : i32 to index
      %get3A_26 = arith.constant 32 : index
      %get3A_27 = tpu.vector_load %arg4[%get3A_25, %get3A_26] {strides = array<i32>} : memref<105x96xi32, #tpu.memory_space<vmem>>, vector<16xi32>,
      tpu.vector_store_idx %arg5[%get3A_27], %broadcast_in_dim3A_3 {add = true} : memref<10112xf32, #tpu.memory_space<vmem>>[vector<16xi32>], vector<16xf32>,
      %get3A_28 = arith.index_cast %add3A_19 : i32 to index
      %get3A_29 = arith.constant 48 : index
      %get3A_30 = tpu.vector_load %arg4[%get3A_28, %get3A_29] {strides = array<i32>} : memref<105x96xi32, #tpu.memory_space<vmem>>, vector<16xi32>,
      tpu.vector_store_idx %arg5[%get3A_30], %broadcast_in_dim3A_3 {add = true} : memref<10112xf32, #tpu.memory_space<vmem>>[vector<16xi32>], vector<16xf32>,
      %get3A_31 = arith.index_cast %add3A_19 : i32 to index
      %get3A_32 = arith.constant 64 : index
      %get3A_33 = tpu.vector_load %arg4[%get3A_31, %get3A_32] {strides = array<i32>} : memref<105x96xi32, #tpu.memory_space<vmem>>, vector<16xi32>,
      tpu.vector_store_idx %arg5[%get3A_33], %broadcast_in_dim3A_3 {add = true} : memref<10112xf32, #tpu.memory_space<vmem>>[vector<16xi32>], vector<16xf32>,
      %get3A_34 = arith.index_cast %add3A_19 : i32 to index
      %get3A_35 = arith.constant 80 : index
      %get3A_36 = tpu.vector_load %arg4[%get3A_34, %get3A_35] {strides = array<i32>} : memref<105x96xi32, #tpu.memory_space<vmem>>, vector<16xi32>,
      tpu.vector_store_idx %arg5[%get3A_36], %broadcast_in_dim3A_3 {add = true} : memref<10112xf32, #tpu.memory_space<vmem>>[vector<16xi32>], vector<16xf32>,
    }
    %scan3A_12 = arith.constant 105 : i32
    %mul3A_13 = arith.constant 10112 : i32
    %mul3A_14 = arith.muli %add3A, %mul3A_13 : i32
    "tpu.region"() ({
      %run_scoped3A = tpu.sem_alloc : memref<!tpu.dma_semaphore, #tpu.memory_space<semaphore_mem>>
      %dma_start3A = tpu.memref_slice %arg3[%mul3A_14] : memref<323584xf32, #tpu.memory_space<hbm>> -> memref<10112xf32, #tpu.memory_space<hbm>>
      %dma_start3A_15 = tpu.memref_slice %arg3[%mul3A_14] : memref<323584xf32, #tpu.memory_space<hbm>> -> memref<10112xf32, #tpu.memory_space<hbm>>
      tpu.enqueue_dma source(%arg5 : memref<10112xf32, #tpu.memory_space<vmem>>) target(%dma_start3A_15 : memref<10112xf32, #tpu.memory_space<hbm>>) target_semaphore(%run_scoped3A : memref<!tpu.dma_semaphore, #tpu.memory_space<semaphore_mem>>)
      %dma_wait3A = tpu.memref_slice %arg3[%mul3A_14] : memref<323584xf32, #tpu.memory_space<hbm>> -> memref<10112xf32, #tpu.memory_space<hbm>>
      %dma_wait3A_16 = tpu.memref_slice %arg3[%mul3A_14] : memref<323584xf32, #tpu.memory_space<hbm>> -> memref<10112xf32, #tpu.memory_space<hbm>>
      tpu.wait_dma2 semaphore(%run_scoped3A : memref<!tpu.dma_semaphore, #tpu.memory_space<semaphore_mem>>) src(%arg5 : memref<10112xf32, #tpu.memory_space<vmem>>) dst(%dma_wait3A_16 : memref<10112xf32, #tpu.memory_space<hbm>>)
      tpu.yield
    }) : () -> ()
    return
  }
}

#map = affine_map<(d0, d1) -> (0, 0)>
#map1 = affine_map<(d0, d1) -> (0)>
#map2 = affine_map<(d0, d1) -> (0, 0, 0)>
module attributes {stable_mosaic.version = 14 : i64} {
  func.func @_prop_body(%arg0: i32, %arg1: i32, %arg2: memref<10000x128xf32, #tpu.memory_space<hbm>>, %arg3: memref<322560xi32, #tpu.memory_space<hbm>>, %arg4: memref<32x105x96xi32, #tpu.memory_space<hbm>>, %arg5: memref<10112x128xf32, #tpu.memory_space<hbm>>, %arg6: memref<2x10112x128xf32, #tpu.memory_space<hbm>>, %arg7: memref<10080xi32, #tpu.memory_space<vmem>>, %arg8: memref<105x96xi32, #tpu.memory_space<vmem>>, %arg9: memref<96x128xf32, #tpu.memory_space<vmem>>, %arg10: memref<96x128xf32, #tpu.memory_space<vmem>>, %arg11: memref<10112x128xf32, #tpu.memory_space<vmem_shared>>, %arg12: memref<!tpu.dma_semaphore, #tpu.memory_space<semaphore_mem>>, %arg13: memref<!tpu.dma_semaphore, #tpu.memory_space<semaphore_mem>>) attributes {dimension_semantics = [#tpu.dimension_semantics<core_parallel>, #tpu.dimension_semantics<subcore_parallel>], iteration_bounds = array<i64: 2, 16>, scalar_prefetch = 0 : i64, scratch_operands = 7 : i64, tpu.core_type = #tpu.core_type<sc_vector_subcore>, window_params = [{transform_indices = #map}, {transform_indices = #map1}, {transform_indices = #map2}, {transform_indices = #map}, {transform_indices = #map2}]} {
    %mul3A = arith.constant 2 : i32
    %mul3A_0 = arith.muli %arg1, %mul3A : i32
    %add3A = arith.addi %mul3A_0, %arg0 : i32
    %mul3A_1 = arith.constant 10080 : i32
    %mul3A_2 = arith.muli %add3A, %mul3A_1 : i32
    "tpu.region"() ({
      %run_scoped3A_18 = tpu.sem_alloc : memref<!tpu.dma_semaphore, #tpu.memory_space<semaphore_mem>>
      %dma_start3A_19 = tpu.memref_slice %arg3[%mul3A_2] : memref<322560xi32, #tpu.memory_space<hbm>> -> memref<10080xi32, #tpu.memory_space<hbm>>
      %dma_start3A_20 = tpu.memref_slice %arg3[%mul3A_2] : memref<322560xi32, #tpu.memory_space<hbm>> -> memref<10080xi32, #tpu.memory_space<hbm>>
      tpu.enqueue_dma source(%dma_start3A_20 : memref<10080xi32, #tpu.memory_space<hbm>>) target(%arg7 : memref<10080xi32, #tpu.memory_space<vmem>>) target_semaphore(%run_scoped3A_18 : memref<!tpu.dma_semaphore, #tpu.memory_space<semaphore_mem>>)
      %dma_wait3A_21 = tpu.memref_slice %arg3[%mul3A_2] : memref<322560xi32, #tpu.memory_space<hbm>> -> memref<10080xi32, #tpu.memory_space<hbm>>
      %dma_wait3A_22 = tpu.memref_slice %arg3[%mul3A_2] : memref<322560xi32, #tpu.memory_space<hbm>> -> memref<10080xi32, #tpu.memory_space<hbm>>
      tpu.wait_dma2 semaphore(%run_scoped3A_18 : memref<!tpu.dma_semaphore, #tpu.memory_space<semaphore_mem>>) src(%dma_wait3A_22 : memref<10080xi32, #tpu.memory_space<hbm>>) dst(%arg7 : memref<10080xi32, #tpu.memory_space<vmem>>)
      tpu.yield
    }) : () -> ()
    "tpu.region"() ({
      %run_scoped3A_18 = tpu.sem_alloc : memref<!tpu.dma_semaphore, #tpu.memory_space<semaphore_mem>>
      %dma_start3A_19 = arith.constant 0 : i32
      %dma_start3A_20 = arith.constant 0 : i32
      %dma_start3A_21 = tpu.memref_slice %arg4[%add3A, %dma_start3A_19, %dma_start3A_20] : memref<32x105x96xi32, #tpu.memory_space<hbm>> -> memref<1x105x96xi32, #tpu.memory_space<hbm>>
      %dma_start3A_22 = tpu.memref_squeeze %dma_start3A_21 : memref<1x105x96xi32, #tpu.memory_space<hbm>> -> memref<105x96xi32, #tpu.memory_space<hbm>>
      %dma_start3A_23 = arith.constant 0 : i32
      %dma_start3A_24 = arith.constant 0 : i32
      %dma_start3A_25 = tpu.memref_slice %arg4[%add3A, %dma_start3A_23, %dma_start3A_24] : memref<32x105x96xi32, #tpu.memory_space<hbm>> -> memref<1x105x96xi32, #tpu.memory_space<hbm>>
      %dma_start3A_26 = tpu.memref_squeeze %dma_start3A_25 : memref<1x105x96xi32, #tpu.memory_space<hbm>> -> memref<105x96xi32, #tpu.memory_space<hbm>>
      tpu.enqueue_dma source(%dma_start3A_26 : memref<105x96xi32, #tpu.memory_space<hbm>>) target(%arg8 : memref<105x96xi32, #tpu.memory_space<vmem>>) target_semaphore(%run_scoped3A_18 : memref<!tpu.dma_semaphore, #tpu.memory_space<semaphore_mem>>)
      %dma_wait3A_27 = arith.constant 0 : i32
      %dma_wait3A_28 = arith.constant 0 : i32
      %dma_wait3A_29 = tpu.memref_slice %arg4[%add3A, %dma_wait3A_27, %dma_wait3A_28] : memref<32x105x96xi32, #tpu.memory_space<hbm>> -> memref<1x105x96xi32, #tpu.memory_space<hbm>>
      %dma_wait3A_30 = tpu.memref_squeeze %dma_wait3A_29 : memref<1x105x96xi32, #tpu.memory_space<hbm>> -> memref<105x96xi32, #tpu.memory_space<hbm>>
      %dma_wait3A_31 = arith.constant 0 : i32
      %dma_wait3A_32 = arith.constant 0 : i32
      %dma_wait3A_33 = tpu.memref_slice %arg4[%add3A, %dma_wait3A_31, %dma_wait3A_32] : memref<32x105x96xi32, #tpu.memory_space<hbm>> -> memref<1x105x96xi32, #tpu.memory_space<hbm>>
      %dma_wait3A_34 = tpu.memref_squeeze %dma_wait3A_33 : memref<1x105x96xi32, #tpu.memory_space<hbm>> -> memref<105x96xi32, #tpu.memory_space<hbm>>
      tpu.wait_dma2 semaphore(%run_scoped3A_18 : memref<!tpu.dma_semaphore, #tpu.memory_space<semaphore_mem>>) src(%dma_wait3A_34 : memref<105x96xi32, #tpu.memory_space<hbm>>) dst(%arg8 : memref<105x96xi32, #tpu.memory_space<vmem>>)
      tpu.yield
    }) : () -> ()
    %mul3A_3 = arith.constant 632 : i32
    %mul3A_4 = arith.muli %arg1, %mul3A_3 : i32
    "tpu.region"() ({
      %run_scoped3A_18 = tpu.sem_alloc : memref<!tpu.dma_semaphore, #tpu.memory_space<semaphore_mem>>
      %dma_start3A_19 = arith.constant 0 : i32
      %dma_start3A_20 = tpu.memref_slice %arg11[%mul3A_4, %dma_start3A_19] : memref<10112x128xf32, #tpu.memory_space<vmem_shared>> -> memref<632x128xf32, #tpu.memory_space<vmem_shared>>
      %dma_start3A_21 = arith.constant 0 : i32
      %dma_start3A_22 = tpu.memref_slice %arg5[%mul3A_4, %dma_start3A_21] : memref<10112x128xf32, #tpu.memory_space<hbm>> -> memref<632x128xf32, #tpu.memory_space<hbm>>
      tpu.enqueue_dma source(%dma_start3A_22 : memref<632x128xf32, #tpu.memory_space<hbm>>) target(%dma_start3A_20 : memref<632x128xf32, #tpu.memory_space<vmem_shared>>) target_semaphore(%run_scoped3A_18 : memref<!tpu.dma_semaphore, #tpu.memory_space<semaphore_mem>>)
      %dma_wait3A_23 = arith.constant 0 : i32
      %dma_wait3A_24 = tpu.memref_slice %arg11[%mul3A_4, %dma_wait3A_23] : memref<10112x128xf32, #tpu.memory_space<vmem_shared>> -> memref<632x128xf32, #tpu.memory_space<vmem_shared>>
      %dma_wait3A_25 = arith.constant 0 : i32
      %dma_wait3A_26 = tpu.memref_slice %arg5[%mul3A_4, %dma_wait3A_25] : memref<10112x128xf32, #tpu.memory_space<hbm>> -> memref<632x128xf32, #tpu.memory_space<hbm>>
      tpu.wait_dma2 semaphore(%run_scoped3A_18 : memref<!tpu.dma_semaphore, #tpu.memory_space<semaphore_mem>>) src(%dma_wait3A_26 : memref<632x128xf32, #tpu.memory_space<hbm>>) dst(%dma_wait3A_24 : memref<632x128xf32, #tpu.memory_space<vmem_shared>>)
      tpu.yield
    }) : () -> ()
    %barrier3A = arith.constant 0 : index
    tpu.barrier barrier_id(%barrier3A)
    %dma_start3A = arith.constant 0 : i32
    %dma_start3A_5 = tpu.memref_slice %arg7[%dma_start3A] : memref<10080xi32, #tpu.memory_space<vmem>> -> memref<96xi32, #tpu.memory_space<vmem>>
    %dma_start3A_6 = arith.constant 0 : i32
    %dma_start3A_7 = arith.constant 0 : i32
    %dma_start3A_8 = tpu.memref_slice %arg2[%dma_start3A_6, %dma_start3A_7] : memref<10000x128xf32, #tpu.memory_space<hbm>> -> memref<10000x128xf32, #tpu.memory_space<hbm>>
    tpu.enqueue_indirect_dma source(%dma_start3A_8 : memref<10000x128xf32, #tpu.memory_space<hbm>>) target(%arg9 : memref<96x128xf32, #tpu.memory_space<vmem>>) offsets(%dma_start3A_5 : memref<96xi32, #tpu.memory_space<vmem>>) semaphore(%arg12 : memref<!tpu.dma_semaphore, #tpu.memory_space<semaphore_mem>>)
    %scan3A = arith.constant 0 : i32
    %scan3A_9 = arith.constant 52 : i32
    %scan3A_10 = arith.addi %scan3A, %scan3A_9 : i32
    %scan3A_11 = arith.constant 1 : i32
    scf.for %scan3A_18 = %scan3A to %scan3A_10 step %scan3A_11  : i32 {
      %mul3A_19 = arith.constant 1 : i32
      %mul3A_20 = arith.muli %scan3A_18, %mul3A_19 : i32
      %add3A_21 = arith.constant 0 : i32
      %add3A_22 = arith.addi %add3A_21, %mul3A_20 : i32
      %mul3A_23 = arith.constant 2 : i32
      %mul3A_24 = arith.muli %add3A_22, %mul3A_23 : i32
      %add3A_25 = arith.constant 1 : i32
      %add3A_26 = arith.addi %mul3A_24, %add3A_25 : i32
      %mul3A_27 = arith.constant 96 : i32
      %mul3A_28 = arith.muli %add3A_26, %mul3A_27 : i32
      %dma_start3A_29 = tpu.memref_slice %arg7[%mul3A_28] : memref<10080xi32, #tpu.memory_space<vmem>> -> memref<96xi32, #tpu.memory_space<vmem>>
      %dma_start3A_30 = arith.constant 0 : i32
      %dma_start3A_31 = arith.constant 0 : i32
      %dma_start3A_32 = tpu.memref_slice %arg2[%dma_start3A_30, %dma_start3A_31] : memref<10000x128xf32, #tpu.memory_space<hbm>> -> memref<10000x128xf32, #tpu.memory_space<hbm>>
      tpu.enqueue_indirect_dma source(%dma_start3A_32 : memref<10000x128xf32, #tpu.memory_space<hbm>>) target(%arg10 : memref<96x128xf32, #tpu.memory_space<vmem>>) offsets(%dma_start3A_29 : memref<96xi32, #tpu.memory_space<vmem>>) semaphore(%arg13 : memref<!tpu.dma_semaphore, #tpu.memory_space<semaphore_mem>>)
      %mul3A_33 = arith.constant 96 : i32
      %mul3A_34 = arith.muli %mul3A_24, %mul3A_33 : i32
      %dma_wait3A_35 = tpu.memref_slice %arg7[%mul3A_34] : memref<10080xi32, #tpu.memory_space<vmem>> -> memref<96xi32, #tpu.memory_space<vmem>>
      %dma_wait3A_36 = arith.constant 0 : i32
      %dma_wait3A_37 = arith.constant 0 : i32
      %dma_wait3A_38 = tpu.memref_slice %arg2[%dma_wait3A_36, %dma_wait3A_37] : memref<10000x128xf32, #tpu.memory_space<hbm>> -> memref<10000x128xf32, #tpu.memory_space<hbm>>
      tpu.wait_indirect_dma semaphore(%arg12 : memref<!tpu.dma_semaphore, #tpu.memory_space<semaphore_mem>>) src(%dma_wait3A_38 : memref<10000x128xf32, #tpu.memory_space<hbm>>) dst(%arg9 : memref<96x128xf32, #tpu.memory_space<vmem>>)
      "tpu.region"() ({
        %run_scoped3A_53 = tpu.sem_alloc : memref<!tpu.dma_semaphore, #tpu.memory_space<semaphore_mem>>
        %dma_start3A_54 = arith.constant 0 : i32
        %dma_start3A_55 = tpu.memref_slice %arg8[%mul3A_24, %dma_start3A_54] : memref<105x96xi32, #tpu.memory_space<vmem>> -> memref<1x96xi32, #tpu.memory_space<vmem>>
        %dma_start3A_56 = tpu.memref_squeeze %dma_start3A_55 : memref<1x96xi32, #tpu.memory_space<vmem>> -> memref<96xi32, #tpu.memory_space<vmem>>
        %dma_start3A_57 = arith.constant 0 : i32
        %dma_start3A_58 = arith.constant 0 : i32
        %dma_start3A_59 = tpu.memref_slice %arg11[%dma_start3A_57, %dma_start3A_58] : memref<10112x128xf32, #tpu.memory_space<vmem_shared>> -> memref<10112x128xf32, #tpu.memory_space<vmem_shared>>
        tpu.enqueue_indirect_dma source(%arg9 : memref<96x128xf32, #tpu.memory_space<vmem>>) target(%dma_start3A_59 : memref<10112x128xf32, #tpu.memory_space<vmem_shared>>) offsets(%dma_start3A_56 : memref<96xi32, #tpu.memory_space<vmem>>) semaphore(%run_scoped3A_53 : memref<!tpu.dma_semaphore, #tpu.memory_space<semaphore_mem>>) {add = true}
        %dma_wait3A_60 = arith.constant 0 : i32
        %dma_wait3A_61 = tpu.memref_slice %arg8[%mul3A_24, %dma_wait3A_60] : memref<105x96xi32, #tpu.memory_space<vmem>> -> memref<1x96xi32, #tpu.memory_space<vmem>>
        %dma_wait3A_62 = tpu.memref_squeeze %dma_wait3A_61 : memref<1x96xi32, #tpu.memory_space<vmem>> -> memref<96xi32, #tpu.memory_space<vmem>>
        %dma_wait3A_63 = arith.constant 0 : i32
        %dma_wait3A_64 = arith.constant 0 : i32
        %dma_wait3A_65 = tpu.memref_slice %arg11[%dma_wait3A_63, %dma_wait3A_64] : memref<10112x128xf32, #tpu.memory_space<vmem_shared>> -> memref<10112x128xf32, #tpu.memory_space<vmem_shared>>
        tpu.wait_indirect_dma semaphore(%run_scoped3A_53 : memref<!tpu.dma_semaphore, #tpu.memory_space<semaphore_mem>>) src(%arg9 : memref<96x128xf32, #tpu.memory_space<vmem>>) dst(%dma_wait3A_65 : memref<10112x128xf32, #tpu.memory_space<vmem_shared>>)
        tpu.yield
      }) : () -> ()
      %add3A_39 = arith.constant 2 : i32
      %add3A_40 = arith.addi %mul3A_24, %add3A_39 : i32
      %mul3A_41 = arith.constant 96 : i32
      %mul3A_42 = arith.muli %add3A_40, %mul3A_41 : i32
      %dma_start3A_43 = tpu.memref_slice %arg7[%mul3A_42] : memref<10080xi32, #tpu.memory_space<vmem>> -> memref<96xi32, #tpu.memory_space<vmem>>
      %dma_start3A_44 = arith.constant 0 : i32
      %dma_start3A_45 = arith.constant 0 : i32
      %dma_start3A_46 = tpu.memref_slice %arg2[%dma_start3A_44, %dma_start3A_45] : memref<10000x128xf32, #tpu.memory_space<hbm>> -> memref<10000x128xf32, #tpu.memory_space<hbm>>
      tpu.enqueue_indirect_dma source(%dma_start3A_46 : memref<10000x128xf32, #tpu.memory_space<hbm>>) target(%arg9 : memref<96x128xf32, #tpu.memory_space<vmem>>) offsets(%dma_start3A_43 : memref<96xi32, #tpu.memory_space<vmem>>) semaphore(%arg12 : memref<!tpu.dma_semaphore, #tpu.memory_space<semaphore_mem>>)
      %mul3A_47 = arith.constant 96 : i32
      %mul3A_48 = arith.muli %add3A_26, %mul3A_47 : i32
      %dma_wait3A_49 = tpu.memref_slice %arg7[%mul3A_48] : memref<10080xi32, #tpu.memory_space<vmem>> -> memref<96xi32, #tpu.memory_space<vmem>>
      %dma_wait3A_50 = arith.constant 0 : i32
      %dma_wait3A_51 = arith.constant 0 : i32
      %dma_wait3A_52 = tpu.memref_slice %arg2[%dma_wait3A_50, %dma_wait3A_51] : memref<10000x128xf32, #tpu.memory_space<hbm>> -> memref<10000x128xf32, #tpu.memory_space<hbm>>
      tpu.wait_indirect_dma semaphore(%arg13 : memref<!tpu.dma_semaphore, #tpu.memory_space<semaphore_mem>>) src(%dma_wait3A_52 : memref<10000x128xf32, #tpu.memory_space<hbm>>) dst(%arg10 : memref<96x128xf32, #tpu.memory_space<vmem>>)
      "tpu.region"() ({
        %run_scoped3A_53 = tpu.sem_alloc : memref<!tpu.dma_semaphore, #tpu.memory_space<semaphore_mem>>
        %dma_start3A_54 = arith.constant 0 : i32
        %dma_start3A_55 = tpu.memref_slice %arg8[%add3A_26, %dma_start3A_54] : memref<105x96xi32, #tpu.memory_space<vmem>> -> memref<1x96xi32, #tpu.memory_space<vmem>>
        %dma_start3A_56 = tpu.memref_squeeze %dma_start3A_55 : memref<1x96xi32, #tpu.memory_space<vmem>> -> memref<96xi32, #tpu.memory_space<vmem>>
        %dma_start3A_57 = arith.constant 0 : i32
        %dma_start3A_58 = arith.constant 0 : i32
        %dma_start3A_59 = tpu.memref_slice %arg11[%dma_start3A_57, %dma_start3A_58] : memref<10112x128xf32, #tpu.memory_space<vmem_shared>> -> memref<10112x128xf32, #tpu.memory_space<vmem_shared>>
        tpu.enqueue_indirect_dma source(%arg10 : memref<96x128xf32, #tpu.memory_space<vmem>>) target(%dma_start3A_59 : memref<10112x128xf32, #tpu.memory_space<vmem_shared>>) offsets(%dma_start3A_56 : memref<96xi32, #tpu.memory_space<vmem>>) semaphore(%run_scoped3A_53 : memref<!tpu.dma_semaphore, #tpu.memory_space<semaphore_mem>>) {add = true}
        %dma_wait3A_60 = arith.constant 0 : i32
        %dma_wait3A_61 = tpu.memref_slice %arg8[%add3A_26, %dma_wait3A_60] : memref<105x96xi32, #tpu.memory_space<vmem>> -> memref<1x96xi32, #tpu.memory_space<vmem>>
        %dma_wait3A_62 = tpu.memref_squeeze %dma_wait3A_61 : memref<1x96xi32, #tpu.memory_space<vmem>> -> memref<96xi32, #tpu.memory_space<vmem>>
        %dma_wait3A_63 = arith.constant 0 : i32
        %dma_wait3A_64 = arith.constant 0 : i32
        %dma_wait3A_65 = tpu.memref_slice %arg11[%dma_wait3A_63, %dma_wait3A_64] : memref<10112x128xf32, #tpu.memory_space<vmem_shared>> -> memref<10112x128xf32, #tpu.memory_space<vmem_shared>>
        tpu.wait_indirect_dma semaphore(%run_scoped3A_53 : memref<!tpu.dma_semaphore, #tpu.memory_space<semaphore_mem>>) src(%arg10 : memref<96x128xf32, #tpu.memory_space<vmem>>) dst(%dma_wait3A_65 : memref<10112x128xf32, #tpu.memory_space<vmem_shared>>)
        tpu.yield
      }) : () -> ()
    }
    %scan3A_12 = arith.constant 52 : i32
    %dma_wait3A = arith.constant 9984 : i32
    %dma_wait3A_13 = tpu.memref_slice %arg7[%dma_wait3A] : memref<10080xi32, #tpu.memory_space<vmem>> -> memref<96xi32, #tpu.memory_space<vmem>>
    %dma_wait3A_14 = arith.constant 0 : i32
    %dma_wait3A_15 = arith.constant 0 : i32
    %dma_wait3A_16 = tpu.memref_slice %arg2[%dma_wait3A_14, %dma_wait3A_15] : memref<10000x128xf32, #tpu.memory_space<hbm>> -> memref<10000x128xf32, #tpu.memory_space<hbm>>
    tpu.wait_indirect_dma semaphore(%arg12 : memref<!tpu.dma_semaphore, #tpu.memory_space<semaphore_mem>>) src(%dma_wait3A_16 : memref<10000x128xf32, #tpu.memory_space<hbm>>) dst(%arg9 : memref<96x128xf32, #tpu.memory_space<vmem>>)
    %run_scoped3A = arith.constant 104 : i32
    "tpu.region"() ({
      %run_scoped3A_18 = tpu.sem_alloc : memref<!tpu.dma_semaphore, #tpu.memory_space<semaphore_mem>>
      %dma_start3A_19 = arith.constant 0 : i32
      %dma_start3A_20 = tpu.memref_slice %arg8[%run_scoped3A, %dma_start3A_19] : memref<105x96xi32, #tpu.memory_space<vmem>> -> memref<1x96xi32, #tpu.memory_space<vmem>>
      %dma_start3A_21 = tpu.memref_squeeze %dma_start3A_20 : memref<1x96xi32, #tpu.memory_space<vmem>> -> memref<96xi32, #tpu.memory_space<vmem>>
      %dma_start3A_22 = arith.constant 0 : i32
      %dma_start3A_23 = arith.constant 0 : i32
      %dma_start3A_24 = tpu.memref_slice %arg11[%dma_start3A_22, %dma_start3A_23] : memref<10112x128xf32, #tpu.memory_space<vmem_shared>> -> memref<10112x128xf32, #tpu.memory_space<vmem_shared>>
      tpu.enqueue_indirect_dma source(%arg9 : memref<96x128xf32, #tpu.memory_space<vmem>>) target(%dma_start3A_24 : memref<10112x128xf32, #tpu.memory_space<vmem_shared>>) offsets(%dma_start3A_21 : memref<96xi32, #tpu.memory_space<vmem>>) semaphore(%run_scoped3A_18 : memref<!tpu.dma_semaphore, #tpu.memory_space<semaphore_mem>>) {add = true}
      %dma_wait3A_25 = arith.constant 0 : i32
      %dma_wait3A_26 = tpu.memref_slice %arg8[%run_scoped3A, %dma_wait3A_25] : memref<105x96xi32, #tpu.memory_space<vmem>> -> memref<1x96xi32, #tpu.memory_space<vmem>>
      %dma_wait3A_27 = tpu.memref_squeeze %dma_wait3A_26 : memref<1x96xi32, #tpu.memory_space<vmem>> -> memref<96xi32, #tpu.memory_space<vmem>>
      %dma_wait3A_28 = arith.constant 0 : i32
      %dma_wait3A_29 = arith.constant 0 : i32
      %dma_wait3A_30 = tpu.memref_slice %arg11[%dma_wait3A_28, %dma_wait3A_29] : memref<10112x128xf32, #tpu.memory_space<vmem_shared>> -> memref<10112x128xf32, #tpu.memory_space<vmem_shared>>
      tpu.wait_indirect_dma semaphore(%run_scoped3A_18 : memref<!tpu.dma_semaphore, #tpu.memory_space<semaphore_mem>>) src(%arg9 : memref<96x128xf32, #tpu.memory_space<vmem>>) dst(%dma_wait3A_30 : memref<10112x128xf32, #tpu.memory_space<vmem_shared>>)
      tpu.yield
    }) : () -> ()
    %barrier3A_17 = arith.constant 0 : index
    tpu.barrier barrier_id(%barrier3A_17)
    "tpu.region"() ({
      %run_scoped3A_18 = tpu.sem_alloc : memref<!tpu.dma_semaphore, #tpu.memory_space<semaphore_mem>>
      %dma_start3A_19 = arith.constant 0 : i32
      %dma_start3A_20 = tpu.memref_slice %arg6[%arg0, %mul3A_4, %dma_start3A_19] : memref<2x10112x128xf32, #tpu.memory_space<hbm>> -> memref<1x632x128xf32, #tpu.memory_space<hbm>>
      %dma_start3A_21 = tpu.memref_squeeze %dma_start3A_20 : memref<1x632x128xf32, #tpu.memory_space<hbm>> -> memref<632x128xf32, #tpu.memory_space<hbm>>
      %dma_start3A_22 = arith.constant 0 : i32
      %dma_start3A_23 = tpu.memref_slice %arg11[%mul3A_4, %dma_start3A_22] : memref<10112x128xf32, #tpu.memory_space<vmem_shared>> -> memref<632x128xf32, #tpu.memory_space<vmem_shared>>
      tpu.enqueue_dma source(%dma_start3A_23 : memref<632x128xf32, #tpu.memory_space<vmem_shared>>) target(%dma_start3A_21 : memref<632x128xf32, #tpu.memory_space<hbm>>) target_semaphore(%run_scoped3A_18 : memref<!tpu.dma_semaphore, #tpu.memory_space<semaphore_mem>>)
      %dma_wait3A_24 = arith.constant 0 : i32
      %dma_wait3A_25 = tpu.memref_slice %arg6[%arg0, %mul3A_4, %dma_wait3A_24] : memref<2x10112x128xf32, #tpu.memory_space<hbm>> -> memref<1x632x128xf32, #tpu.memory_space<hbm>>
      %dma_wait3A_26 = tpu.memref_squeeze %dma_wait3A_25 : memref<1x632x128xf32, #tpu.memory_space<hbm>> -> memref<632x128xf32, #tpu.memory_space<hbm>>
      %dma_wait3A_27 = arith.constant 0 : i32
      %dma_wait3A_28 = tpu.memref_slice %arg11[%mul3A_4, %dma_wait3A_27] : memref<10112x128xf32, #tpu.memory_space<vmem_shared>> -> memref<632x128xf32, #tpu.memory_space<vmem_shared>>
      tpu.wait_dma2 semaphore(%run_scoped3A_18 : memref<!tpu.dma_semaphore, #tpu.memory_space<semaphore_mem>>) src(%dma_wait3A_28 : memref<632x128xf32, #tpu.memory_space<vmem_shared>>) dst(%dma_wait3A_26 : memref<632x128xf32, #tpu.memory_space<hbm>>)
      tpu.yield
    }) : () -> ()
    return
  }
}

module attributes {stable_mosaic.version = 14 : i64} {
  func.func @_tca_body(%arg0: memref<32x79x128xf32, #tpu.memory_space<vmem>>, %arg1: memref<79x128xf32, #tpu.memory_space<vmem>>) attributes {dimension_semantics = [], scalar_prefetch = 0 : i64, scratch_operands = 0 : i64, tpu.core_type = #tpu.core_type<tc>} {
    %get3A = arith.constant 0 : index
    %get3A_0 = arith.constant 0 : index
    %get3A_1 = arith.constant 0 : index
    %get3A_2 = vector.load %arg0[%get3A, %get3A_0, %get3A_1] : memref<32x79x128xf32, #tpu.memory_space<vmem>>, vector<32x79x128xf32>
    %reduce_sum3A = arith.constant dense<0.000000e+00> : vector<79x128xf32>
    %reduce_sum3A_3 = vector.multi_reduction <add>, %get3A_2, %reduce_sum3A [0] : vector<32x79x128xf32> to vector<79x128xf32>
    %add3A = arith.constant 1.000000e+00 : f32
    %add3A_4 = vector.broadcast %add3A : f32 to vector<79x128xf32>
    %add3A_5 = arith.addf %reduce_sum3A_3, %add3A_4 : vector<79x128xf32>
    %rsqrt3A = math.rsqrt %add3A_5 : vector<79x128xf32>
    %swap3A = arith.constant 0 : index
    %swap3A_6 = arith.constant 0 : index
    %swap3A_7 = vector.load %arg1[%swap3A, %swap3A_6] : memref<79x128xf32, #tpu.memory_space<vmem>>, vector<79x128xf32>
    tpu.vector_store %arg1[%swap3A, %swap3A_6], %rsqrt3A {strides = array<i32>} : memref<79x128xf32, #tpu.memory_space<vmem>>, vector<79x128xf32>,
    return
  }
}

module attributes {stable_mosaic.version = 14 : i64} {
  func.func @_tc1_body(%arg0: memref<10000x128xf32, #tpu.memory_space<vmem>>, %arg1: memref<128x128xf32, #tpu.memory_space<vmem>>, %arg2: memref<10000x1xf32, #tpu.memory_space<vmem>>, %arg3: memref<10000x128xf32, #tpu.memory_space<vmem>>) attributes {dimension_semantics = [], scalar_prefetch = 0 : i64, scratch_operands = 0 : i64, tpu.core_type = #tpu.core_type<tc>} {
    %get3A = arith.constant 0 : index
    %get3A_0 = arith.constant 0 : index
    %get3A_1 = vector.load %arg0[%get3A, %get3A_0] : memref<10000x128xf32, #tpu.memory_space<vmem>>, vector<10000x128xf32>
    %get3A_2 = arith.constant 0 : index
    %get3A_3 = arith.constant 0 : index
    %get3A_4 = vector.load %arg1[%get3A_2, %get3A_3] : memref<128x128xf32, #tpu.memory_space<vmem>>, vector<128x128xf32>
    %dot_general3A = arith.constant dense<0.000000e+00> : vector<10000x128xf32>
    %dot_general3A_5 = tpu.matmul %get3A_1, %get3A_4, %dot_general3A {dimension_numbers = #tpu.dot_dimension_numbers<[1], [0], [0], [1], [0, 0, 1, 1], [], []>, transpose_lhs_hint = false} : vector<10000x128xf32>, vector<128x128xf32>, vector<10000x128xf32> -> vector<10000x128xf32>
    %get3A_6 = arith.constant 0 : index
    %get3A_7 = arith.constant 0 : index
    %get3A_8 = vector.load %arg2[%get3A_6, %get3A_7] : memref<10000x1xf32, #tpu.memory_space<vmem>>, vector<10000x1xf32>
    %mul3A = vector.broadcast %get3A_8 : vector<10000x1xf32> to vector<10000x128xf32>
    %mul3A_9 = arith.mulf %dot_general3A_5, %mul3A : vector<10000x128xf32>
    %swap3A = arith.constant 0 : index
    %swap3A_10 = arith.constant 0 : index
    %swap3A_11 = vector.load %arg3[%swap3A, %swap3A_10] : memref<10000x128xf32, #tpu.memory_space<vmem>>, vector<10000x128xf32>
    tpu.vector_store %arg3[%swap3A, %swap3A_10], %mul3A_9 {strides = array<i32>} : memref<10000x128xf32, #tpu.memory_space<vmem>>, vector<10000x128xf32>,
    return
  }
}

module attributes {stable_mosaic.version = 14 : i64} {
  func.func @_tc2_body(%arg0: memref<2x10112x128xf32, #tpu.memory_space<vmem>>, %arg1: memref<10000x128xf32, #tpu.memory_space<vmem>>, %arg2: memref<10000x1xf32, #tpu.memory_space<vmem>>, %arg3: memref<128xf32, #tpu.memory_space<vmem>>, %arg4: memref<128x128xf32, #tpu.memory_space<vmem>>, %arg5: memref<10000x128xf32, #tpu.memory_space<vmem>>) attributes {dimension_semantics = [], scalar_prefetch = 0 : i64, scratch_operands = 0 : i64, tpu.core_type = #tpu.core_type<tc>} {
    %get3A = arith.constant 0 : index
    %get3A_0 = arith.constant 0 : index
    %get3A_1 = vector.load %arg2[%get3A, %get3A_0] : memref<10000x1xf32, #tpu.memory_space<vmem>>, vector<10000x1xf32>
    %get3A_2 = arith.constant 0 : index
    %get3A_3 = arith.constant 0 : index
    %get3A_4 = arith.constant 0 : index
    %get3A_5 = vector.load %arg0[%get3A_2, %get3A_3, %get3A_4] : memref<2x10112x128xf32, #tpu.memory_space<vmem>>, vector<1x10000x128xf32>
    %get3A_6 = vector.shape_cast %get3A_5 : vector<1x10000x128xf32> to vector<10000x128xf32>
    %get3A_7 = arith.constant 1 : index
    %get3A_8 = arith.constant 0 : index
    %get3A_9 = arith.constant 0 : index
    %get3A_10 = vector.load %arg0[%get3A_7, %get3A_8, %get3A_9] : memref<2x10112x128xf32, #tpu.memory_space<vmem>>, vector<1x10000x128xf32>
    %get3A_11 = vector.shape_cast %get3A_10 : vector<1x10000x128xf32> to vector<10000x128xf32>
    %add3A = arith.addf %get3A_6, %get3A_11 : vector<10000x128xf32>
    %get3A_12 = arith.constant 0 : index
    %get3A_13 = arith.constant 0 : index
    %get3A_14 = vector.load %arg1[%get3A_12, %get3A_13] : memref<10000x128xf32, #tpu.memory_space<vmem>>, vector<10000x128xf32>
    %add3A_15 = arith.addf %add3A, %get3A_14 : vector<10000x128xf32>
    %mul3A = vector.broadcast %get3A_1 : vector<10000x1xf32> to vector<10000x128xf32>
    %mul3A_16 = arith.mulf %add3A_15, %mul3A : vector<10000x128xf32>
    %get3A_17 = arith.constant 0 : index
    %get3A_18 = vector.load %arg3[%get3A_17] : memref<128xf32, #tpu.memory_space<vmem>>, vector<128xf32>
    %broadcast_in_dim3A = vector.shape_cast %get3A_18 : vector<128xf32> to vector<1x128xf32>
    %add3A_19 = vector.broadcast %broadcast_in_dim3A : vector<1x128xf32> to vector<10000x128xf32>
    %add3A_20 = arith.addf %mul3A_16, %add3A_19 : vector<10000x128xf32>
    %max3A = arith.constant 0.000000e+00 : f32
    %max3A_21 = vector.broadcast %max3A : f32 to vector<10000x128xf32>
    %max3A_22 = arith.maximumf %add3A_20, %max3A_21 : vector<10000x128xf32>
    %get3A_23 = arith.constant 0 : index
    %get3A_24 = arith.constant 0 : index
    %get3A_25 = vector.load %arg4[%get3A_23, %get3A_24] : memref<128x128xf32, #tpu.memory_space<vmem>>, vector<128x128xf32>
    %dot_general3A = arith.constant dense<0.000000e+00> : vector<10000x128xf32>
    %dot_general3A_26 = tpu.matmul %max3A_22, %get3A_25, %dot_general3A {dimension_numbers = #tpu.dot_dimension_numbers<[1], [0], [0], [1], [0, 0, 1, 1], [], []>, transpose_lhs_hint = false} : vector<10000x128xf32>, vector<128x128xf32>, vector<10000x128xf32> -> vector<10000x128xf32>
    %mul3A_27 = vector.broadcast %get3A_1 : vector<10000x1xf32> to vector<10000x128xf32>
    %mul3A_28 = arith.mulf %dot_general3A_26, %mul3A_27 : vector<10000x128xf32>
    %swap3A = arith.constant 0 : index
    %swap3A_29 = arith.constant 0 : index
    %swap3A_30 = vector.load %arg5[%swap3A, %swap3A_29] : memref<10000x128xf32, #tpu.memory_space<vmem>>, vector<10000x128xf32>
    tpu.vector_store %arg5[%swap3A, %swap3A_29], %mul3A_28 {strides = array<i32>} : memref<10000x128xf32, #tpu.memory_space<vmem>>, vector<10000x128xf32>,
    return
  }
}

module attributes {stable_mosaic.version = 14 : i64} {
  func.func @_tc3_body(%arg0: memref<2x10112x128xf32, #tpu.memory_space<vmem>>, %arg1: memref<10000x128xf32, #tpu.memory_space<vmem>>, %arg2: memref<10000x1xf32, #tpu.memory_space<vmem>>, %arg3: memref<128xf32, #tpu.memory_space<vmem>>, %arg4: memref<10000x128xf32, #tpu.memory_space<vmem>>) attributes {dimension_semantics = [], scalar_prefetch = 0 : i64, scratch_operands = 0 : i64, tpu.core_type = #tpu.core_type<tc>} {
    %get3A = arith.constant 0 : index
    %get3A_0 = arith.constant 0 : index
    %get3A_1 = arith.constant 0 : index
    %get3A_2 = vector.load %arg0[%get3A, %get3A_0, %get3A_1] : memref<2x10112x128xf32, #tpu.memory_space<vmem>>, vector<1x10000x128xf32>
    %get3A_3 = vector.shape_cast %get3A_2 : vector<1x10000x128xf32> to vector<10000x128xf32>
    %get3A_4 = arith.constant 1 : index
    %get3A_5 = arith.constant 0 : index
    %get3A_6 = arith.constant 0 : index
    %get3A_7 = vector.load %arg0[%get3A_4, %get3A_5, %get3A_6] : memref<2x10112x128xf32, #tpu.memory_space<vmem>>, vector<1x10000x128xf32>
    %get3A_8 = vector.shape_cast %get3A_7 : vector<1x10000x128xf32> to vector<10000x128xf32>
    %add3A = arith.addf %get3A_3, %get3A_8 : vector<10000x128xf32>
    %get3A_9 = arith.constant 0 : index
    %get3A_10 = arith.constant 0 : index
    %get3A_11 = vector.load %arg1[%get3A_9, %get3A_10] : memref<10000x128xf32, #tpu.memory_space<vmem>>, vector<10000x128xf32>
    %add3A_12 = arith.addf %add3A, %get3A_11 : vector<10000x128xf32>
    %get3A_13 = arith.constant 0 : index
    %get3A_14 = arith.constant 0 : index
    %get3A_15 = vector.load %arg2[%get3A_13, %get3A_14] : memref<10000x1xf32, #tpu.memory_space<vmem>>, vector<10000x1xf32>
    %mul3A = vector.broadcast %get3A_15 : vector<10000x1xf32> to vector<10000x128xf32>
    %mul3A_16 = arith.mulf %add3A_12, %mul3A : vector<10000x128xf32>
    %get3A_17 = arith.constant 0 : index
    %get3A_18 = vector.load %arg3[%get3A_17] : memref<128xf32, #tpu.memory_space<vmem>>, vector<128xf32>
    %broadcast_in_dim3A = vector.shape_cast %get3A_18 : vector<128xf32> to vector<1x128xf32>
    %add3A_19 = vector.broadcast %broadcast_in_dim3A : vector<1x128xf32> to vector<10000x128xf32>
    %add3A_20 = arith.addf %mul3A_16, %add3A_19 : vector<10000x128xf32>
    %reduce_max3A = arith.constant dense<0xFF800000> : vector<10000xf32>
    %reduce_max3A_21 = vector.multi_reduction <maximumf>, %add3A_20, %reduce_max3A [1] : vector<10000x128xf32> to vector<10000xf32>
    %broadcast_in_dim3A_22 = vector.shape_cast %reduce_max3A_21 : vector<10000xf32> to vector<10000x1xf32>
    %sub3A = vector.broadcast %broadcast_in_dim3A_22 : vector<10000x1xf32> to vector<10000x128xf32>
    %sub3A_23 = arith.subf %add3A_20, %sub3A : vector<10000x128xf32>
    %exp3A = math.exp %sub3A_23 : vector<10000x128xf32>
    %reduce_sum3A = arith.constant dense<0.000000e+00> : vector<10000xf32>
    %reduce_sum3A_24 = vector.multi_reduction <add>, %exp3A, %reduce_sum3A [1] : vector<10000x128xf32> to vector<10000xf32>
    %broadcast_in_dim3A_25 = vector.shape_cast %reduce_sum3A_24 : vector<10000xf32> to vector<10000x1xf32>
    %div3A = vector.broadcast %broadcast_in_dim3A_25 : vector<10000x1xf32> to vector<10000x128xf32>
    %div3A_26 = arith.divf %exp3A, %div3A : vector<10000x128xf32>
    %swap3A = arith.constant 0 : index
    %swap3A_27 = arith.constant 0 : index
    %swap3A_28 = vector.load %arg4[%swap3A, %swap3A_27] : memref<10000x128xf32, #tpu.memory_space<vmem>>, vector<10000x128xf32>
    tpu.vector_store %arg4[%swap3A, %swap3A_27], %div3A_26 {strides = array<i32>} : memref<10000x128xf32, #tpu.memory_space<vmem>>, vector<10000x128xf32>,
    return
  }
}

</mosaic_0001>

<sc_bundles>
// kernel: kernel.12.cloned.1.call-start
scs
__scs_entry_jumppad:
0x0: {  	(pc) =	sbr.rel $0x88, $3  }
0x1: {  	(tag) =	ssettag $0x0;
	lr =	simm.s32 $0x1  }
0x2: {  	[smem:$0x3F9B] =	sst lr;
	_ =	strace $0xD0000000  }
0x3: {  	_ = 	snop  }
0x4: {  	_ = 	snop  }
0x5: {  	_ = 	snop  }
0x6: {  	_ = 	snop  }
0x7: {  	_ = 	snop  }
__scs_overlays_trampoline_lowered:
0x8: {  	[smem:$0x3FAA] =	sst s0  }
0x9: {  	[smem:$0x3FAB] =	sst s1  }
0xa: {  	[smem:$0x3FAC] =	sst s2  }
0xb: {  	[smem:$0x3FAD] =	sst s3  }
0xc: {  	[smem:$0x3FAE] =	sst s4  }
0xd: {  	[smem:$0x3FAF] =	sst s5  }
0xe: {  	[smem:$0x3FB0] =	sst s6  }
0xf: {  	[smem:$0x3FB1] =	sst s7  }
0x10: {  	[smem:$0x3FB2] =	sst s8  }
0x11: {  	[smem:$0x3FB3] =	sst s9;
	s0 =	simm.s32 @!p0 $0x0  }
0x12: {  	s1 =	sld [smem:$0x3F99];
	s0 =	simm.s32 @p0 $0x1  }
0x13: {  	[smem:$0x3FB4] =	sst s0;
	s0 =	simm.s32 @!p1 $0x0  }
0x14: {  	s2 =	sld [smem:$0x3F98];
	s0 =	simm.s32 @p1 $0x1  }
0x15: {  	[smem:$0x3FB5] =	sst s0;
	s0 =	simm.s32 @!p2 $0x0  }
0x16: {  	s3 =	sld [smem:$0x3FDB];
	s0 =	simm.s32 @p2 $0x1  }
0x17: {  	s4 =	simm.s32 $0x1BF5;
	[smem:$0x3FB7] =	sst s0  }
0x18: {  	s0 =	sld [smem:$0x3F9A];
	_ =	swait.ge [sflag:s4], $0x0  }
0x19: {  	s7 =	sld [smem:$0x3F9B]  }
0x1a: {  	s8 =	sadd.s32 $0xFFFFE003, lr  }
0x1b: {  	s9 =	sadd.s32 $0xFFFFFEF7, lr;
	s5 =	simm.s32 $0xFFFFFFFF;
	p2 =	slt.u32 s8, $0xFFFFF086  }
0x1c: {  	p1 =	slt.u32 s9, $0xF7A;
	s5 =	simm.s32 @!p2 $0x0  }
0x1d: {  	s5 =	simm.s32 @p1 $0x1;
	p0 =	seq.s32 s7, s2  }
0x1e: {  	s7 =	smul.u32 @!p0 $0xF7A, s2;
	p2 =	seq.s32 @!p0 s5, $0x0  }
0x1f: {  	s9 =	smul.u32 $0xF7A, s1;
	s8 =	simm.s32 @!p0 $0x1BF5;
	p2 =	por !p2, p0  }
0x20: {  	[sflag:s8] =	ssyncset.s32 @!p0 $0xFFFFF086;
	s6 =	sadd.s32 @!p0 s3, s7;
	s7 =	simm.s32 @!p0 $0x108  }
0x21: {  	s3 =	sadd.s32 s3, s9;
	s6 =	sadd.s32 @!p0 $0x88, s6;
	s7 =	simm.s32 @p2 $0x1082  }
0x22: {  	[simem:s7], [sflag:s8] =	dma.local @!p0 [hbm:s6], $0xF7A  }
0x23: {  	s9 =	sor.u32 $0xD0000000, s2;
	s6 =	simm.s32 $0x108;
	_ =	swait.ge @!p0 [sflag:s8], $0x0  }
0x24: {  	s3 =	sadd.s32 $0x88, s3;
	s6 =	simm.s32 @!p1 $0x1082;
	[sflag:s4] =	ssyncset.s32 $0xFFFFF086  }
0x25: {  	[simem:s6], [sflag:s4] =	dma.local [hbm:s3], $0xF7A  }
0x26: {  	[smem:$0x3F9B] =	sst s1;
	(tag) =	ssettag s2;
	_ =	strace s9  }
0x27: {  	s1 =	sld [smem:$0x3FAB]  }
0x28: {  	s2 =	sld [smem:$0x3FAC]  }
0x29: {  	s4 =	sld [smem:$0x3FAE]  }
0x2a: {  	p0 =	seq.s32 s5, $0x0;
	s5 =	sld [smem:$0x3FAF]  }
0x2b: {  	s6 =	sld [smem:$0x3FB0]  }
0x2c: {  	s7 =	sld [smem:$0x3FB1]  }
0x2d: {  	s3 =	simm.s32 $0x108;
	s8 =	sld [smem:$0x3FB2]  }
0x2e: {  	s3 =	simm.s32 @!p0 $0x1082;
	s9 =	sld [smem:$0x3FB3]  }
0x2f: {  	lr =	sadd.s32 s0, s3;
	s0 =	sld [smem:$0x3FAA]  }
0x30: {  	s3 =	sld [smem:$0x3FAD]  }
0x31: {  	[smem:$0x3FB6] =	sst s10  }
0x32: {  	s10 =	sld [smem:$0x3FB4];
	_ =	sdelay $0x3  }
0x33: {  	p0 =	seq.s32 s10, $0x1;
	s10 =	sld [smem:$0x3FB6];
	_ =	sdelay $0x3  }
0x34: {  	[smem:$0x3FB6] =	sst s10  }
0x35: {  	s10 =	sld [smem:$0x3FB5];
	_ =	sdelay $0x3  }
0x36: {  	p1 =	seq.s32 s10, $0x1;
	s10 =	sld [smem:$0x3FB6];
	_ =	sdelay $0x3  }
0x37: {  	[smem:$0x3FB6] =	sst s10  }
0x38: {  	s10 =	sld [smem:$0x3FB7]  }
0x39: {  	_ = 	snop;
	(pc) =	sbr.ind lr, $3  }
0x3a: {  	_ = 	snop  }
0x3b: {  	_ = 	snop  }
0x3c: {  	p2 =	seq.s32 s10, $0x1;
	s10 =	sld [smem:$0x3FB6]  }
0x3d: {  	_ =	shalt  }
0x3e: {  	_ =	shalt  }
0x3f: {  	_ =	shalt  }
0x40: {  	_ =	shalt  }
0x41: {  	_ =	shalt  }
0x42: {  	_ =	shalt  }
0x43: {  	_ =	shalt  }
0x44: {  	_ =	shalt  }
0x45: {  	_ =	shalt  }
0x46: {  	_ =	shalt  }
0x47: {  	_ =	shalt  }
0x48: {  	_ =	shalt  }
0x49: {  	_ =	shalt  }
0x4a: {  	_ =	shalt  }
0x4b: {  	_ =	shalt  }
0x4c: {  	_ =	shalt  }
0x4d: {  	_ =	shalt  }
0x4e: {  	_ =	shalt  }
0x4f: {  	_ =	shalt  }
0x50: {  	_ =	shalt  }
0x51: {  	_ =	shalt  }
0x52: {  	_ =	shalt  }
0x53: {  	_ =	shalt  }
0x54: {  	_ =	shalt  }
0x55: {  	_ =	shalt  }
0x56: {  	_ =	shalt  }
0x57: {  	_ =	shalt  }
0x58: {  	_ =	shalt  }
0x59: {  	_ =	shalt  }
0x5a: {  	_ =	shalt  }
0x5b: {  	_ =	shalt  }
0x5c: {  	_ =	shalt  }
0x5d: {  	_ =	shalt  }
0x5e: {  	_ =	shalt  }
0x5f: {  	_ =	shalt  }
0x60: {  	_ =	shalt  }
0x61: {  	_ =	shalt  }
0x62: {  	_ =	shalt  }
0x63: {  	_ =	shalt  }
0x64: {  	_ =	shalt  }
0x65: {  	_ =	shalt  }
0x66: {  	_ =	shalt  }
0x67: {  	_ =	shalt  }
0x68: {  	_ =	shalt  }
0x69: {  	_ =	shalt  }
0x6a: {  	_ =	shalt  }
0x6b: {  	_ =	shalt  }
0x6c: {  	_ =	shalt  }
0x6d: {  	_ =	shalt  }
0x6e: {  	_ =	shalt  }
0x6f: {  	_ =	shalt  }
0x70: {  	_ =	shalt  }
0x71: {  	_ =	shalt  }
0x72: {  	_ =	shalt  }
0x73: {  	_ =	shalt  }
0x74: {  	_ =	shalt  }
0x75: {  	_ =	shalt  }
0x76: {  	_ =	shalt  }
0x77: {  	_ =	shalt  }
0x78: {  	_ =	shalt  }
0x79: {  	_ =	shalt  }
0x7a: {  	_ =	shalt  }
0x7b: {  	_ =	shalt  }
0x7c: {  	_ =	shalt  }
0x7d: {  	_ =	shalt  }
0x7e: {  	_ =	shalt  }
0x7f: {  	_ =	shalt  }
0x80: {  	_ =	shalt  }
0x81: {  	_ =	shalt  }
0x82: {  	_ =	shalt  }
0x83: {  	_ =	shalt  }
0x84: {  	_ =	shalt  }
0x85: {  	_ =	shalt  }
0x86: {  	_ =	shalt  }
0x87: {  	_ =	shalt  }
.Lfunc_end0:
.L_simem_size_0:
called_computation.1_lowered:
.L_overlay_start_0:
0x88: {  	s2 =	sld [smem:$0x3FD9]  }
0x89: {  	s3 =	sld [smem:$0x3FFE];
	_ =	sdelay $0x1  }
0x8a: {  	s1 =	srdreg.scid  }
0x8b: {  	s0 =	sand.u32 $0x1, s1  }
0x8c: {  	s17 =	sshll.u32 s0, $0xA;
	s2 =	sadd.s32 s3, s2  }
0x8d: {  	s2 =	sadd.s32 s2, s17  }
0x8e: {  	[smem:$0x3FC2] =	sst s2  }
0x8f: {  	_ = 	snop  }
0x90: {  	s2 =	sld [smem:$0x3FD0];
	(tm) =	ssettm $0x1  }
0x91: {  	s18 =	sld [smem:$0x3FFB];
	_ =	sdelay $0x3  }
0x92: {  	_ =	strace s18  }
0x93: {  	s3 =	sld [smem:$0x3FFC];
	_ =	sdelay $0x3  }
0x94: {  	_ =	strace s3  }
0x95: {  	s3 =	sld [smem:$0x3FFD];
	_ =	sdelay $0x3  }
0x96: {  	_ =	strace s3  }
0x97: {  	_ =	strace $0x8FFFFFFF  }
0x98: {  	s19 =	sld [smem:$0x3FDB];
	_ =	sdelay $0x1  }
0x99: {  	s4 =	simm.s32 $_scs_section_size  }
0x9a: {  	s5 =	simm.s32 $_size__tile_overlayer_lowered;
	s6 =	simm.s32 $_tile_overlayer_lowered  }
0x9b: {  	s22 =	simm.s32 $0x1BFF;
	s21 =	sshll.u32 s6, $0x1;
	s3 =	sadd.s32 s4, s19  }
0x9c: {  	s7 =	simm.s32 $0x0;
	s20 =	sshll.u32 s5, $0x1;
	s5 =	sadd.s32 s21, s3  }
0x9d: {  	[timem:s7], [sflag:s22] =	dma.local [hbm:s5], s20  }
0x9e: {  	_ =	swait.ge [sflag:s22], s20  }
0x9f: {  	s4 =	ssub.s32 $0x0, s20;
	[sflag:s22] =	ssyncset.done $0x0  }
0xa0: {  	[sflag:s22] =	ssyncadd.s32 s4;
	_ =	sdelay $0x1  }
0xa1: {  	s23 =	simm.s32 $0x1B8B  }
0xa2: {  	_ =	swait.ge [sflag:s23], $0x1  }
0xa3: {  	[sflag:s23] =	ssyncset.done $0x0  }
0xa4: {  	s25 =	simm.s32 $0x1B8E;
	s24 =	sld [smem:$0x3FFE];
	[sflag:s23] =	ssyncadd.s32 $0xFFFFFFFF  }
0xa5: {  	s26 =	simm.s32 $execute0_lowered;
	[smem:$0x3FD2] =	sst s25  }
0xa6: {  	s5 =	sshll.u32 s26, $0x1;
	_ =	strace $0x80000049;
	[dreg:$0x1] =	wrdreg $0xFFFFFFFF  }
0xa7: {  	s28 =	simm.s32 $_size_execute0_lowered;
	s3 =	sadd.s32 s3, s5;
	[dreg:$0x0] =	wrdreg $0x0  }
0xa8: {  	s5 =	sshll.u32 s28, $0x1;
	[dreg:$0x2] =	wrdreg s3  }
0xa9: {  	[dreg:$0x3] =	wrdreg s5  }
0xaa: {  	[dreg:$0x4] =	wrdreg $0xC0  }
0xab: {  	_ =	task [dreg:s7], $0x5FFFF  }
0xac: {  	[dreg:$0x1] =	wrdreg $0xFFFFFFFF  }
0xad: {  	[dreg:$0x0] =	wrdreg $0x60  }
0xae: {  	[dreg:$0x2] =	wrdreg s2  }
0xaf: {  	[dreg:$0x3] =	wrdreg s24  }
0xb0: {  	[dreg:$0x4] =	wrdreg $0xBF800  }
0xb1: {  	[dreg:$0x5] =	wrdreg $0x9  }
0xb2: {  	_ =	task.clear_ibuf [dreg:s7], $0x6FFFF;
	_ =	strace $0x90000049  }
0xb3: {  	s29 =	simm.s32 $0x9;
	_ =	strace $0x8000004B  }
0xb4: {  	_ =	swait.ge [sflag:s29], $0x1  }
0xb5: {  	[sflag:s29] =	ssyncadd.s32 $0xFFFFFFFF  }
0xb6: {  	_ =	strace $0x9000004B  }
0xb7: {  	_ =	sfence  }
0xb8: {  	s30 =	sld [smem:$0x0];
	_ =	sdelay $0x2  }
0xb9: {  	s31 =	sshll.u32 s1, $0xD;
	s1 =	sshrl.u32 s1, $0x2  }
0xba: {  	s3 =	sand.u32 $0x4000, s31;
	s1 =	sadd.s32 s1, s30  }
0xbb: {  	s0 =	sor.u32 s3, s0;
	s1 =	sshll.u32 s1, $0x11  }
0xbc: {  	s0 =	sor.u32 s1, s0  }
0xbd: {  	s0 =	sadd.s32 $0x8F2B, s0  }
0xbe: {  	[sflag:s0] =	ssyncadd.remote.s32 $0x1  }
0xbf: {  	_ =	sfence.sel $0xFFFF  }
0xc0: {  	[dreg:$0x0] =	wrdreg $0xFFFFFFFF;
	(pc) =	sbr.abs _section_cstart, $3  }
0xc1: {  	[dreg:$0x1] =	wrdreg $0xFFFFFFFF  }
0xc2: {  	_ =	task.clear_ibuf [dreg:s7], $0x2FFFF;
	_ =	strace $0x9FFFFFFF  }
0xc3: {  	(tm) =	ssettm $0x7FFFFFFF  }
tec
execute0_lowered:
.L_overlay_start_1:
0x0: {  	(tag) =	ssettag $0x1  }
0x1: {  	s2 =	srdreg.scid;
	s1 =	rddreg [dreg:$0x0]  }
0x2: {  	s0 =	stileid.u32;
	s6 =	rddreg [dreg:$0x1]  }
0x3: {  	s3 =	rddreg [dreg:$0x2];
	s4 =	simm.s32 $0x0;
	s14 =	simm.s32 $0x60  }
0x4: {  	s15 =	simm.s32 $0x5F80;
	s16 =	simm.s32 $0x8F80;
	s17 =	simm.s32 $0x1  }
0x5: {  	s18 =	simm.s32 $0x2;
	s19 =	simm.s32 $0x5B80;
	s20 =	simm.s32 $0x0  }
0x6: {  	s5 =	sand.u32 $0x1, s2;
	s2 =	rddreg [dreg:$0x3];
	s9 =	smul.u32 $0x13C00, s0  }
0x7: {  	s29 =	sshll.u32 s0, $0x1;
	[smem:$0x7FF] =	sst s4;
	s30 =	smul.u32 $0x4F000, s0  }
0x8: {  	s31 =	sshll.u32 s0, $0x6;
	s7 =	sor.u32 s5, s29;
	s10 =	smul.u32 $0x13C000, s5  }
0x9: {  	_ =	strace $0x8000004A;
	s5 =	ssub.s32 $0x2, s5;
	s8 =	smul.u32 $0x4EC, s7  }
0xa: {  	s7 =	smul.u32 $0x700, s7;
	s11 =	sshrl.u32 s9, $0x3;
	s12 =	sshrl.u32 s5, $0x1  }
0xb: {  	s9 =	sadd.s32 s9, s10;
	s11 =	sadd.s32 s11, s6;
	s12 =	ssub.s32 s5, s12  }
0xc: {  	s10 =	sshrl.u32 s30, $0x2;
	s8 =	sadd.s32 s8, s6;
	s7 =	sadd.s32 s7, s6  }
0xd: {  	s9 =	sshrl.u32 s9, $0x3;
	s13 =	sadd.s32 s10, s3;
	s10 =	simm.s32 $0x3  }
0xe: {  	s9 =	sadd.s32 s9, s6;
	s5 =	sadd.s32 $0x2000, s8;
	s6 =	sadd.s32 $0xBE00, s7  }
0xf: {  	s7 =	sadd.s32 $0x19E00, s11;
	s11 =	simm.s32 $0x2780;
	s13 =	sshrl.u32 s13, $0x3  }
0x10: {  	s8 =	sadd.s32 $0x41600, s9;
	s9 =	smax.u32 s12, $0x1;
	s12 =	sor.u32 $0x1C03, s31  }
.LBB2_1:
0x11: {  	[tilespmem:s4], [sflag:$0x3] =	stream.linear.gather [hbm4b:s5+s4], $0x2760, $0x38;
	[tilespmem:$0x1FB80] =	vst v63  }
0x12: {  	_ =	swait.ge [sflag:s10], $0x2760  }
0x13: {  	[sflag:s10] =	ssyncset.done $0x0  }
0x14: {  	[sflag:s10] =	ssyncadd.s32 $0xFFFFD8A0  }
0x15: {  	[tilespmem:s11], [sflag:$0x3] =	stream.linear.gather [hbm4b:s6+s4], $0x3480, $0x38;
	[tilespmem:$0x1FB80] =	vst v63  }
0x16: {  	_ =	swait.ge [sflag:s10], $0x3480  }
0x17: {  	[sflag:s10] =	ssyncset.done $0x0  }
0x18: {  	[sflag:s10] =	ssyncadd.s32 $0xFFFFCB80  }
0x19: {  	[spmem:s13], [sflag:s12] =	dma.local [hbm:s7], $0x2780  }
0x1a: {  	_ =	swait.ge [sflag:s10], $0x2780  }
0x1b: {  	[sflag:s10] =	ssyncset.done $0x0  }
0x1c: {  	[sflag:s10] =	ssyncadd.s32 $0xFFFFD880  }
0x1d: {  	[bflag:$0x0] =	sbarrier.arrive $0xFFFF  }
0x1e: {  	[tilespmem:s15], [sflag:$0x1] =	stream.indirect.gather [hbm4b:s1+s14], $0x80, s4, s14, $0xb8;
	[tilespmem:$0x1FB80] =	vst v63  }
0x1f: {  	s21 =	simm.s32 $0x60  }
0x20: {  	[tilespmem:s16], [sflag:$0x2] =	stream.indirect.gather [hbm4b:s1+s14], $0x80, s21, s14, $0xb8;
	[tilespmem:$0x1FB80] =	vst v63  }
0x21: {  	_ =	swait.ge [sflag:s17], $0x3000  }
0x22: {  	[sflag:s17] =	ssyncset.done $0x0  }
0x23: {  	s29 =	simm.s32 $0x2780;
	[sflag:s17] =	ssyncadd.s32 $0xFFFFD000  }
0x24: {  	[spmem:s3] =	stream.indirect.scatter.add.f32 [tilespmem:s15], [sflag:$0x3], $0x80, s29, s14, $0xb8;
	[tilespmem:$0x1FB80] =	vst v63  }
0x25: {  	_ =	swait.ge [sflag:s10], $0x3000  }
0x26: {  	[sflag:s10] =	ssyncset.done $0x0  }
0x27: {  	s30 =	simm.s32 $0xC0;
	[sflag:s10] =	ssyncadd.s32 $0xFFFFD000  }
0x28: {  	[tilespmem:s15], [sflag:$0x1] =	stream.indirect.gather [hbm4b:s1+s14], $0x80, s30, s14, $0xb8;
	[tilespmem:$0x1FB80] =	vst v63  }
0x29: {  	_ =	swait.ge [sflag:s18], $0x3000  }
0x2a: {  	[sflag:s18] =	ssyncset.done $0x0  }
0x2b: {  	s31 =	simm.s32 $0x2800;
	[sflag:s18] =	ssyncadd.s32 $0xFFFFD000  }
0x2c: {  	[spmem:s3] =	stream.indirect.scatter.add.f32 [tilespmem:s16], [sflag:$0x3], $0x80, s31, s14, $0xb8;
	[tilespmem:$0x1FB80] =	vst v63  }
0x2d: {  	s22 =	simm.s32 $0x400;
	_ =	swait.ge [sflag:s10], $0x3000  }
0x2e: {  	s23 =	simm.s32 $0x800;
	s21 =	simm.s32 $0x180;
	[sflag:s10] =	ssyncset.done $0x0  }
.LBB2_2:
0x2f: {  	p0 =	sne.s32 s23, $0xCC00;
	s24 =	sadd.s32 $0xFFFFFFA0, s21;
	[sflag:s10] =	ssyncadd.s32 $0xFFFFD000  }
0x30: {  	[tilespmem:s16], [sflag:$0x2] =	stream.indirect.gather [hbm4b:s1+s14], $0x80, s24, s14, $0xb8;
	[tilespmem:$0x1FB80] =	vst v63  }
0x31: {  	s24 =	smov.u32 s23;
	s23 =	sadd.s32 $0x400, s23;
	_ =	swait.ge [sflag:s17], $0x3000  }
0x32: {  	s25 =	sshra.s32 s22, $0x2;
	s22 =	smov.u32 s24;
	[sflag:s17] =	ssyncset.done $0x0  }
0x33: {  	s24 =	sadd.s32 $0x2780, s25;
	[sflag:s17] =	ssyncadd.s32 $0xFFFFD000  }
0x34: {  	[spmem:s3] =	stream.indirect.scatter.add.f32 [tilespmem:s15], [sflag:$0x3], $0x80, s24, s14, $0xb8;
	[tilespmem:$0x1FB80] =	vst v63  }
0x35: {  	_ =	swait.ge [sflag:s10], $0x3000  }
0x36: {  	[sflag:s10] =	ssyncset.done $0x0  }
0x37: {  	[sflag:s10] =	ssyncadd.s32 $0xFFFFD000  }
0x38: {  	[tilespmem:s15], [sflag:$0x1] =	stream.indirect.gather [hbm4b:s1+s14], $0x80, s21, s14, $0xb8;
	[tilespmem:$0x1FB80] =	vst v63  }
0x39: {  	_ =	swait.ge [sflag:s18], $0x3000  }
.Ltmp0:
0x3a: {  	[sflag:s18] =	ssyncset.done $0x0;
	(pc) =	sbr.rel @p0 .LBB2_2-.Ltmp0, $4  }
0x3b: {  	s24 =	sadd.s32 $0x2800, s25;
	[sflag:s18] =	ssyncadd.s32 $0xFFFFD000  }
0x3c: {  	[spmem:s3] =	stream.indirect.scatter.add.f32 [tilespmem:s16], [sflag:$0x3], $0x80, s24, s14, $0xb8;
	[tilespmem:$0x1FB80] =	vst v63  }
0x3d: {  	_ =	swait.ge [sflag:s10], $0x3000  }
0x3e: {  	s21 =	sadd.s32 $0xC0, s21;
	[sflag:s10] =	ssyncset.done $0x0  }
0x3f: {  	s23 =	sadd.s32 $0xFFFFFFA0, s21;
	[sflag:s10] =	ssyncadd.s32 $0xFFFFD000  }
0x40: {  	[tilespmem:s16], [sflag:$0x2] =	stream.indirect.gather [hbm4b:s1+s14], $0x80, s23, s14, $0xb8;
	[tilespmem:$0x1FB80] =	vst v63  }
0x41: {  	_ =	swait.ge [sflag:s17], $0x3000  }
0x42: {  	s22 =	sshra.s32 s22, $0x2;
	[sflag:s17] =	ssyncset.done $0x0  }
0x43: {  	s30 =	sadd.s32 $0x2780, s22;
	[sflag:s17] =	ssyncadd.s32 $0xFFFFD000  }
0x44: {  	[spmem:s3] =	stream.indirect.scatter.add.f32 [tilespmem:s15], [sflag:$0x3], $0x80, s30, s14, $0xb8;
	[tilespmem:$0x1FB80] =	vst v63  }
0x45: {  	_ =	swait.ge [sflag:s10], $0x3000  }
0x46: {  	[sflag:s10] =	ssyncset.done $0x0  }
0x47: {  	[sflag:s10] =	ssyncadd.s32 $0xFFFFD000  }
0x48: {  	[tilespmem:s15], [sflag:$0x1] =	stream.indirect.gather [hbm4b:s1+s14], $0x80, s21, s14, $0xb8;
	[tilespmem:$0x1FB80] =	vst v63  }
0x49: {  	_ =	swait.ge [sflag:s18], $0x3000  }
0x4a: {  	[sflag:s18] =	ssyncset.done $0x0  }
0x4b: {  	s31 =	sadd.s32 $0x2800, s22;
	[sflag:s18] =	ssyncadd.s32 $0xFFFFD000  }
0x4c: {  	[spmem:s3] =	stream.indirect.scatter.add.f32 [tilespmem:s16], [sflag:$0x3], $0x80, s31, s14, $0xb8;
	[tilespmem:$0x1FB80] =	vst v63  }
0x4d: {  	_ =	swait.ge [sflag:s10], $0x3000  }
0x4e: {  	[sflag:s10] =	ssyncset.done $0x0  }
0x4f: {  	[sflag:s10] =	ssyncadd.s32 $0xFFFFD000  }
0x50: {  	_ =	swait.ge [sflag:s17], $0x3000  }
0x51: {  	[sflag:s17] =	ssyncset.done $0x0  }
0x52: {  	[sflag:s17] =	ssyncadd.s32 $0xFFFFD000  }
0x53: {  	[spmem:s3] =	stream.indirect.scatter.add.f32 [tilespmem:s15], [sflag:$0x3], $0x80, s19, s14, $0xb8;
	[tilespmem:$0x1FB80] =	vst v63  }
0x54: {  	_ =	swait.ge [sflag:s10], $0x3000  }
0x55: {  	s20 =	sadd.s32 $0x1, s20;
	[sflag:s10] =	ssyncset.done $0x0  }
0x56: {  	p0 =	sne.s32 s20, s9;
	[sflag:s10] =	ssyncadd.s32 $0xFFFFD000  }
.Ltmp1:
0x57: {  	[bflag:$0x0] =	sbarrier.arrive $0xFFFF;
	(pc) =	sbr.rel @p0 .LBB2_1-.Ltmp1, $4  }
0x58: {  	[hbm:s8], [sflag:s12] =	dma.local [spmem:s13], $0x2780  }
0x59: {  	_ =	swait.ge [sflag:s10], $0x2780  }
0x5a: {  	[sflag:s10] =	ssyncset.done $0x0  }
0x5b: {  	[sflag:s10] =	ssyncadd.s32 $0xFFFFD880  }
0x5c: {  	_ =	sfence.sel $0x180000  }
0x5d: {  	[bflag:$0x0] =	sbarrier.arrive $0xFFFF  }
0x5e: {  	p0 =	sne.s32 s0, $0x0;
	_ =	strace $0x9000004A  }
0x5f: {  	s0 =	sadd.s32 @!p0 $0x100000, s2;
	[bflag:$0x2] =	sbarrier.arrive $0xFFFF  }
0x60: {  	[sflag:s0] =	ssyncadd.tile.s32 @!p0 $0x1;
	_ =	shalt  }
.Lfunc_end2:
_tile_overlayer_lowered:
.L_overlay_start_2:
0x61: {  	(tag) =	ssettag $0x2  }
0x62: {  	s0 =	rddreg [dreg:$0x0];
	s2 =	stileid.u32  }
0x63: {  	s1 =	rddreg [dreg:$0x1];
	p0 =	sne.s32 s2, $0x0  }
0x64: {  	s3 =	rddreg [dreg:$0x2];
	[bflag:$0x3] =	sbarrier.arrive $0xFFFF;
	s2 =	simm.s32 @!p0 $0x1C03  }
0x65: {  	[timem:s3], [sflag:s2] =	dma.local @!p0 [hbm:s0], s1  }
0x66: {  	s0 =	simm.s32 @!p0 $0x3  }
0x67: {  	_ =	swait.ge @!p0 [sflag:s0], s1  }
0x68: {  	s1 =	ssub.s32 @!p0 $0x0, s1;
	[sflag:s0] =	ssyncset.done @!p0 $0x0  }
0x69: {  	[sflag:s0] =	ssyncadd.s32 @!p0 s1  }
0x6a: {  	[bflag:$0x3] =	sbarrier.arrive $0xFFFF  }
0x6b: {  	_ =	shalt  }

// kernel: kernel.15.cloned.1.call-start
scs
__scs_entry_jumppad:
0x0: {  	(pc) =	sbr.rel $0x88, $3  }
0x1: {  	(tag) =	ssettag $0x0;
	lr =	simm.s32 $0x1  }
0x2: {  	[smem:$0x3F9B] =	sst lr;
	_ =	strace $0xD0000000  }
0x3: {  	_ = 	snop  }
0x4: {  	_ = 	snop  }
0x5: {  	_ = 	snop  }
0x6: {  	_ = 	snop  }
0x7: {  	_ = 	snop  }
__scs_overlays_trampoline_lowered:
0x8: {  	[smem:$0x3FAA] =	sst s0  }
0x9: {  	[smem:$0x3FAB] =	sst s1  }
0xa: {  	[smem:$0x3FAC] =	sst s2  }
0xb: {  	[smem:$0x3FAD] =	sst s3  }
0xc: {  	[smem:$0x3FAE] =	sst s4  }
0xd: {  	[smem:$0x3FAF] =	sst s5  }
0xe: {  	[smem:$0x3FB0] =	sst s6  }
0xf: {  	[smem:$0x3FB1] =	sst s7  }
0x10: {  	[smem:$0x3FB2] =	sst s8  }
0x11: {  	[smem:$0x3FB3] =	sst s9;
	s0 =	simm.s32 @!p0 $0x0  }
0x12: {  	s1 =	sld [smem:$0x3F99];
	s0 =	simm.s32 @p0 $0x1  }
0x13: {  	[smem:$0x3FB4] =	sst s0;
	s0 =	simm.s32 @!p1 $0x0  }
0x14: {  	s2 =	sld [smem:$0x3F98];
	s0 =	simm.s32 @p1 $0x1  }
0x15: {  	[smem:$0x3FB5] =	sst s0;
	s0 =	simm.s32 @!p2 $0x0  }
0x16: {  	s3 =	sld [smem:$0x3FDB];
	s0 =	simm.s32 @p2 $0x1  }
0x17: {  	s4 =	simm.s32 $0x1BF5;
	[smem:$0x3FB7] =	sst s0  }
0x18: {  	s0 =	sld [smem:$0x3F9A];
	_ =	swait.ge [sflag:s4], $0x0  }
0x19: {  	s7 =	sld [smem:$0x3F9B]  }
0x1a: {  	s8 =	sadd.s32 $0xFFFFE003, lr  }
0x1b: {  	s9 =	sadd.s32 $0xFFFFFEF7, lr;
	s5 =	simm.s32 $0xFFFFFFFF;
	p2 =	slt.u32 s8, $0xFFFFF086  }
0x1c: {  	p1 =	slt.u32 s9, $0xF7A;
	s5 =	simm.s32 @!p2 $0x0  }
0x1d: {  	s5 =	simm.s32 @p1 $0x1;
	p0 =	seq.s32 s7, s2  }
0x1e: {  	s7 =	smul.u32 @!p0 $0xF7A, s2;
	p2 =	seq.s32 @!p0 s5, $0x0  }
0x1f: {  	s9 =	smul.u32 $0xF7A, s1;
	s8 =	simm.s32 @!p0 $0x1BF5;
	p2 =	por !p2, p0  }
0x20: {  	[sflag:s8] =	ssyncset.s32 @!p0 $0xFFFFF086;
	s6 =	sadd.s32 @!p0 s3, s7;
	s7 =	simm.s32 @!p0 $0x108  }
0x21: {  	s3 =	sadd.s32 s3, s9;
	s6 =	sadd.s32 @!p0 $0x88, s6;
	s7 =	simm.s32 @p2 $0x1082  }
0x22: {  	[simem:s7], [sflag:s8] =	dma.local @!p0 [hbm:s6], $0xF7A  }
0x23: {  	s9 =	sor.u32 $0xD0000000, s2;
	s6 =	simm.s32 $0x108;
	_ =	swait.ge @!p0 [sflag:s8], $0x0  }
0x24: {  	s3 =	sadd.s32 $0x88, s3;
	s6 =	simm.s32 @!p1 $0x1082;
	[sflag:s4] =	ssyncset.s32 $0xFFFFF086  }
0x25: {  	[simem:s6], [sflag:s4] =	dma.local [hbm:s3], $0xF7A  }
0x26: {  	[smem:$0x3F9B] =	sst s1;
	(tag) =	ssettag s2;
	_ =	strace s9  }
0x27: {  	s1 =	sld [smem:$0x3FAB]  }
0x28: {  	s2 =	sld [smem:$0x3FAC]  }
0x29: {  	s4 =	sld [smem:$0x3FAE]  }
0x2a: {  	p0 =	seq.s32 s5, $0x0;
	s5 =	sld [smem:$0x3FAF]  }
0x2b: {  	s6 =	sld [smem:$0x3FB0]  }
0x2c: {  	s7 =	sld [smem:$0x3FB1]  }
0x2d: {  	s3 =	simm.s32 $0x108;
	s8 =	sld [smem:$0x3FB2]  }
0x2e: {  	s3 =	simm.s32 @!p0 $0x1082;
	s9 =	sld [smem:$0x3FB3]  }
0x2f: {  	lr =	sadd.s32 s0, s3;
	s0 =	sld [smem:$0x3FAA]  }
0x30: {  	s3 =	sld [smem:$0x3FAD]  }
0x31: {  	[smem:$0x3FB6] =	sst s10  }
0x32: {  	s10 =	sld [smem:$0x3FB4];
	_ =	sdelay $0x3  }
0x33: {  	p0 =	seq.s32 s10, $0x1;
	s10 =	sld [smem:$0x3FB6];
	_ =	sdelay $0x3  }
0x34: {  	[smem:$0x3FB6] =	sst s10  }
0x35: {  	s10 =	sld [smem:$0x3FB5];
	_ =	sdelay $0x3  }
0x36: {  	p1 =	seq.s32 s10, $0x1;
	s10 =	sld [smem:$0x3FB6];
	_ =	sdelay $0x3  }
0x37: {  	[smem:$0x3FB6] =	sst s10  }
0x38: {  	s10 =	sld [smem:$0x3FB7]  }
0x39: {  	_ = 	snop;
	(pc) =	sbr.ind lr, $3  }
0x3a: {  	_ = 	snop  }
0x3b: {  	_ = 	snop  }
0x3c: {  	p2 =	seq.s32 s10, $0x1;
	s10 =	sld [smem:$0x3FB6]  }
0x3d: {  	_ =	shalt  }
0x3e: {  	_ =	shalt  }
0x3f: {  	_ =	shalt  }
0x40: {  	_ =	shalt  }
0x41: {  	_ =	shalt  }
0x42: {  	_ =	shalt  }
0x43: {  	_ =	shalt  }
0x44: {  	_ =	shalt  }
0x45: {  	_ =	shalt  }
0x46: {  	_ =	shalt  }
0x47: {  	_ =	shalt  }
0x48: {  	_ =	shalt  }
0x49: {  	_ =	shalt  }
0x4a: {  	_ =	shalt  }
0x4b: {  	_ =	shalt  }
0x4c: {  	_ =	shalt  }
0x4d: {  	_ =	shalt  }
0x4e: {  	_ =	shalt  }
0x4f: {  	_ =	shalt  }
0x50: {  	_ =	shalt  }
0x51: {  	_ =	shalt  }
0x52: {  	_ =	shalt  }
0x53: {  	_ =	shalt  }
0x54: {  	_ =	shalt  }
0x55: {  	_ =	shalt  }
0x56: {  	_ =	shalt  }
0x57: {  	_ =	shalt  }
0x58: {  	_ =	shalt  }
0x59: {  	_ =	shalt  }
0x5a: {  	_ =	shalt  }
0x5b: {  	_ =	shalt  }
0x5c: {  	_ =	shalt  }
0x5d: {  	_ =	shalt  }
0x5e: {  	_ =	shalt  }
0x5f: {  	_ =	shalt  }
0x60: {  	_ =	shalt  }
0x61: {  	_ =	shalt  }
0x62: {  	_ =	shalt  }
0x63: {  	_ =	shalt  }
0x64: {  	_ =	shalt  }
0x65: {  	_ =	shalt  }
0x66: {  	_ =	shalt  }
0x67: {  	_ =	shalt  }
0x68: {  	_ =	shalt  }
0x69: {  	_ =	shalt  }
0x6a: {  	_ =	shalt  }
0x6b: {  	_ =	shalt  }
0x6c: {  	_ =	shalt  }
0x6d: {  	_ =	shalt  }
0x6e: {  	_ =	shalt  }
0x6f: {  	_ =	shalt  }
0x70: {  	_ =	shalt  }
0x71: {  	_ =	shalt  }
0x72: {  	_ =	shalt  }
0x73: {  	_ =	shalt  }
0x74: {  	_ =	shalt  }
0x75: {  	_ =	shalt  }
0x76: {  	_ =	shalt  }
0x77: {  	_ =	shalt  }
0x78: {  	_ =	shalt  }
0x79: {  	_ =	shalt  }
0x7a: {  	_ =	shalt  }
0x7b: {  	_ =	shalt  }
0x7c: {  	_ =	shalt  }
0x7d: {  	_ =	shalt  }
0x7e: {  	_ =	shalt  }
0x7f: {  	_ =	shalt  }
0x80: {  	_ =	shalt  }
0x81: {  	_ =	shalt  }
0x82: {  	_ =	shalt  }
0x83: {  	_ =	shalt  }
0x84: {  	_ =	shalt  }
0x85: {  	_ =	shalt  }
0x86: {  	_ =	shalt  }
0x87: {  	_ =	shalt  }
.Lfunc_end0:
.L_simem_size_0:
called_computation.2_lowered:
.L_overlay_start_0:
0x88: {  	s2 =	sld [smem:$0x3FD9]  }
0x89: {  	s3 =	sld [smem:$0x3FFE];
	_ =	sdelay $0x1  }
0x8a: {  	s1 =	srdreg.scid  }
0x8b: {  	s0 =	sand.u32 $0x1, s1  }
0x8c: {  	s17 =	sshll.u32 s0, $0xA;
	s2 =	sadd.s32 s3, s2  }
0x8d: {  	s2 =	sadd.s32 s2, s17  }
0x8e: {  	[smem:$0x3FC2] =	sst s2  }
0x8f: {  	_ = 	snop  }
0x90: {  	s2 =	sld [smem:$0x3FD0];
	(tm) =	ssettm $0x1  }
0x91: {  	s18 =	sld [smem:$0x3FFB];
	_ =	sdelay $0x3  }
0x92: {  	_ =	strace s18  }
0x93: {  	s3 =	sld [smem:$0x3FFC];
	_ =	sdelay $0x3  }
0x94: {  	_ =	strace s3  }
0x95: {  	s3 =	sld [smem:$0x3FFD];
	_ =	sdelay $0x3  }
0x96: {  	_ =	strace s3  }
0x97: {  	_ =	strace $0x8FFFFFFF  }
0x98: {  	s19 =	sld [smem:$0x3FDB];
	_ =	sdelay $0x1  }
0x99: {  	s4 =	simm.s32 $_scs_section_size  }
0x9a: {  	s5 =	simm.s32 $_size__tile_overlayer_lowered;
	s6 =	simm.s32 $_tile_overlayer_lowered  }
0x9b: {  	s22 =	simm.s32 $0x1BFF;
	s21 =	sshll.u32 s6, $0x1;
	s3 =	sadd.s32 s4, s19  }
0x9c: {  	s7 =	simm.s32 $0x0;
	s20 =	sshll.u32 s5, $0x1;
	s5 =	sadd.s32 s21, s3  }
0x9d: {  	[timem:s7], [sflag:s22] =	dma.local [hbm:s5], s20  }
0x9e: {  	_ =	swait.ge [sflag:s22], s20  }
0x9f: {  	s4 =	ssub.s32 $0x0, s20;
	[sflag:s22] =	ssyncset.done $0x0  }
0xa0: {  	[sflag:s22] =	ssyncadd.s32 s4;
	_ =	sdelay $0x1  }
0xa1: {  	s23 =	simm.s32 $0x1B8B  }
0xa2: {  	_ =	swait.ge [sflag:s23], $0x1  }
0xa3: {  	[sflag:s23] =	ssyncset.done $0x0  }
0xa4: {  	s25 =	simm.s32 $0x1B8E;
	s24 =	sld [smem:$0x3FFE];
	[sflag:s23] =	ssyncadd.s32 $0xFFFFFFFF  }
0xa5: {  	s26 =	simm.s32 $execute0_lowered;
	[smem:$0x3FD2] =	sst s25  }
0xa6: {  	s5 =	sshll.u32 s26, $0x1;
	_ =	strace $0x8000004C;
	[dreg:$0x1] =	wrdreg $0xFFFFFFFF  }
0xa7: {  	s28 =	simm.s32 $_size_execute0_lowered;
	s3 =	sadd.s32 s3, s5;
	[dreg:$0x0] =	wrdreg $0x0  }
0xa8: {  	s5 =	sshll.u32 s28, $0x1;
	[dreg:$0x2] =	wrdreg s3  }
0xa9: {  	[dreg:$0x3] =	wrdreg s5  }
0xaa: {  	[dreg:$0x4] =	wrdreg $0xC0  }
0xab: {  	_ =	task [dreg:s7], $0x5FFFF  }
0xac: {  	[dreg:$0x1] =	wrdreg $0xFFFFFFFF  }
0xad: {  	[dreg:$0x0] =	wrdreg $0x60  }
0xae: {  	[dreg:$0x2] =	wrdreg s2  }
0xaf: {  	[dreg:$0x3] =	wrdreg s24  }
0xb0: {  	[dreg:$0x4] =	wrdreg $0xBF800  }
0xb1: {  	[dreg:$0x5] =	wrdreg $0x9  }
0xb2: {  	_ =	task.clear_ibuf [dreg:s7], $0x6FFFF;
	_ =	strace $0x9000004C  }
0xb3: {  	s29 =	simm.s32 $0x9;
	_ =	strace $0x8000004E  }
0xb4: {  	_ =	swait.ge [sflag:s29], $0x1  }
0xb5: {  	[sflag:s29] =	ssyncadd.s32 $0xFFFFFFFF  }
0xb6: {  	_ =	strace $0x9000004E  }
0xb7: {  	_ =	sfence  }
0xb8: {  	s30 =	sld [smem:$0x0];
	_ =	sdelay $0x2  }
0xb9: {  	s31 =	sshll.u32 s1, $0xD;
	s1 =	sshrl.u32 s1, $0x2  }
0xba: {  	s3 =	sand.u32 $0x4000, s31;
	s1 =	sadd.s32 s1, s30  }
0xbb: {  	s0 =	sor.u32 s3, s0;
	s1 =	sshll.u32 s1, $0x11  }
0xbc: {  	s0 =	sor.u32 s1, s0  }
0xbd: {  	s0 =	sadd.s32 $0x8F2B, s0  }
0xbe: {  	[sflag:s0] =	ssyncadd.remote.s32 $0x1  }
0xbf: {  	_ =	sfence.sel $0xFFFF  }
0xc0: {  	[dreg:$0x0] =	wrdreg $0xFFFFFFFF;
	(pc) =	sbr.abs _section_cstart, $3  }
0xc1: {  	[dreg:$0x1] =	wrdreg $0xFFFFFFFF  }
0xc2: {  	_ =	task.clear_ibuf [dreg:s7], $0x2FFFF;
	_ =	strace $0x9FFFFFFF  }
0xc3: {  	(tm) =	ssettm $0x7FFFFFFF  }
tec
execute0_lowered:
.L_overlay_start_1:
0x0: {  	(tag) =	ssettag $0x1  }
0x1: {  	s2 =	srdreg.scid;
	s1 =	rddreg [dreg:$0x0]  }
0x2: {  	s0 =	stileid.u32;
	s6 =	rddreg [dreg:$0x1]  }
0x3: {  	s3 =	rddreg [dreg:$0x2];
	s4 =	simm.s32 $0x0;
	s14 =	simm.s32 $0x60  }
0x4: {  	s15 =	simm.s32 $0x5F80;
	s16 =	simm.s32 $0x8F80;
	s17 =	simm.s32 $0x1  }
0x5: {  	s18 =	simm.s32 $0x2;
	s19 =	simm.s32 $0x5B80;
	s20 =	simm.s32 $0x0  }
0x6: {  	s5 =	sand.u32 $0x1, s2;
	s2 =	rddreg [dreg:$0x3];
	s9 =	smul.u32 $0x13C00, s0  }
0x7: {  	s29 =	sshll.u32 s0, $0x1;
	[smem:$0x7FF] =	sst s4;
	s30 =	smul.u32 $0x4F000, s0  }
0x8: {  	s31 =	sshll.u32 s0, $0x6;
	s7 =	sor.u32 s5, s29;
	s10 =	smul.u32 $0x13C000, s5  }
0x9: {  	_ =	strace $0x8000004D;
	s5 =	ssub.s32 $0x2, s5;
	s8 =	smul.u32 $0x4EC, s7  }
0xa: {  	s7 =	smul.u32 $0x700, s7;
	s11 =	sshrl.u32 s9, $0x3;
	s12 =	sshrl.u32 s5, $0x1  }
0xb: {  	s9 =	sadd.s32 s9, s10;
	s11 =	sadd.s32 s11, s6;
	s12 =	ssub.s32 s5, s12  }
0xc: {  	s10 =	sshrl.u32 s30, $0x2;
	s8 =	sadd.s32 s8, s6;
	s7 =	sadd.s32 s7, s6  }
0xd: {  	s9 =	sshrl.u32 s9, $0x3;
	s13 =	sadd.s32 s10, s3;
	s10 =	simm.s32 $0x3  }
0xe: {  	s9 =	sadd.s32 s9, s6;
	s5 =	sadd.s32 $0x2000, s8;
	s6 =	sadd.s32 $0xBE00, s7  }
0xf: {  	s7 =	sadd.s32 $0x19E00, s11;
	s11 =	simm.s32 $0x2780;
	s13 =	sshrl.u32 s13, $0x3  }
0x10: {  	s8 =	sadd.s32 $0x41600, s9;
	s9 =	smax.u32 s12, $0x1;
	s12 =	sor.u32 $0x1C03, s31  }
.LBB2_1:
0x11: {  	[tilespmem:s4], [sflag:$0x3] =	stream.linear.gather [hbm4b:s5+s4], $0x2760, $0x38;
	[tilespmem:$0x1FB80] =	vst v63  }
0x12: {  	_ =	swait.ge [sflag:s10], $0x2760  }
0x13: {  	[sflag:s10] =	ssyncset.done $0x0  }
0x14: {  	[sflag:s10] =	ssyncadd.s32 $0xFFFFD8A0  }
0x15: {  	[tilespmem:s11], [sflag:$0x3] =	stream.linear.gather [hbm4b:s6+s4], $0x3480, $0x38;
	[tilespmem:$0x1FB80] =	vst v63  }
0x16: {  	_ =	swait.ge [sflag:s10], $0x3480  }
0x17: {  	[sflag:s10] =	ssyncset.done $0x0  }
0x18: {  	[sflag:s10] =	ssyncadd.s32 $0xFFFFCB80  }
0x19: {  	[spmem:s13], [sflag:s12] =	dma.local [hbm:s7], $0x2780  }
0x1a: {  	_ =	swait.ge [sflag:s10], $0x2780  }
0x1b: {  	[sflag:s10] =	ssyncset.done $0x0  }
0x1c: {  	[sflag:s10] =	ssyncadd.s32 $0xFFFFD880  }
0x1d: {  	[bflag:$0x0] =	sbarrier.arrive $0xFFFF  }
0x1e: {  	[tilespmem:s15], [sflag:$0x1] =	stream.indirect.gather [hbm4b:s1+s14], $0x80, s4, s14, $0xb8;
	[tilespmem:$0x1FB80] =	vst v63  }
0x1f: {  	s21 =	simm.s32 $0x60  }
0x20: {  	[tilespmem:s16], [sflag:$0x2] =	stream.indirect.gather [hbm4b:s1+s14], $0x80, s21, s14, $0xb8;
	[tilespmem:$0x1FB80] =	vst v63  }
0x21: {  	_ =	swait.ge [sflag:s17], $0x3000  }
0x22: {  	[sflag:s17] =	ssyncset.done $0x0  }
0x23: {  	s29 =	simm.s32 $0x2780;
	[sflag:s17] =	ssyncadd.s32 $0xFFFFD000  }
0x24: {  	[spmem:s3] =	stream.indirect.scatter.add.f32 [tilespmem:s15], [sflag:$0x3], $0x80, s29, s14, $0xb8;
	[tilespmem:$0x1FB80] =	vst v63  }
0x25: {  	_ =	swait.ge [sflag:s10], $0x3000  }
0x26: {  	[sflag:s10] =	ssyncset.done $0x0  }
0x27: {  	s30 =	simm.s32 $0xC0;
	[sflag:s10] =	ssyncadd.s32 $0xFFFFD000  }
0x28: {  	[tilespmem:s15], [sflag:$0x1] =	stream.indirect.gather [hbm4b:s1+s14], $0x80, s30, s14, $0xb8;
	[tilespmem:$0x1FB80] =	vst v63  }
0x29: {  	_ =	swait.ge [sflag:s18], $0x3000  }
0x2a: {  	[sflag:s18] =	ssyncset.done $0x0  }
0x2b: {  	s31 =	simm.s32 $0x2800;
	[sflag:s18] =	ssyncadd.s32 $0xFFFFD000  }
0x2c: {  	[spmem:s3] =	stream.indirect.scatter.add.f32 [tilespmem:s16], [sflag:$0x3], $0x80, s31, s14, $0xb8;
	[tilespmem:$0x1FB80] =	vst v63  }
0x2d: {  	s22 =	simm.s32 $0x400;
	_ =	swait.ge [sflag:s10], $0x3000  }
0x2e: {  	s23 =	simm.s32 $0x800;
	s21 =	simm.s32 $0x180;
	[sflag:s10] =	ssyncset.done $0x0  }
.LBB2_2:
0x2f: {  	p0 =	sne.s32 s23, $0xCC00;
	s24 =	sadd.s32 $0xFFFFFFA0, s21;
	[sflag:s10] =	ssyncadd.s32 $0xFFFFD000  }
0x30: {  	[tilespmem:s16], [sflag:$0x2] =	stream.indirect.gather [hbm4b:s1+s14], $0x80, s24, s14, $0xb8;
	[tilespmem:$0x1FB80] =	vst v63  }
0x31: {  	s24 =	smov.u32 s23;
	s23 =	sadd.s32 $0x400, s23;
	_ =	swait.ge [sflag:s17], $0x3000  }
0x32: {  	s25 =	sshra.s32 s22, $0x2;
	s22 =	smov.u32 s24;
	[sflag:s17] =	ssyncset.done $0x0  }
0x33: {  	s24 =	sadd.s32 $0x2780, s25;
	[sflag:s17] =	ssyncadd.s32 $0xFFFFD000  }
0x34: {  	[spmem:s3] =	stream.indirect.scatter.add.f32 [tilespmem:s15], [sflag:$0x3], $0x80, s24, s14, $0xb8;
	[tilespmem:$0x1FB80] =	vst v63  }
0x35: {  	_ =	swait.ge [sflag:s10], $0x3000  }
0x36: {  	[sflag:s10] =	ssyncset.done $0x0  }
0x37: {  	[sflag:s10] =	ssyncadd.s32 $0xFFFFD000  }
0x38: {  	[tilespmem:s15], [sflag:$0x1] =	stream.indirect.gather [hbm4b:s1+s14], $0x80, s21, s14, $0xb8;
	[tilespmem:$0x1FB80] =	vst v63  }
0x39: {  	_ =	swait.ge [sflag:s18], $0x3000  }
.Ltmp0:
0x3a: {  	[sflag:s18] =	ssyncset.done $0x0;
	(pc) =	sbr.rel @p0 .LBB2_2-.Ltmp0, $4  }
0x3b: {  	s24 =	sadd.s32 $0x2800, s25;
	[sflag:s18] =	ssyncadd.s32 $0xFFFFD000  }
0x3c: {  	[spmem:s3] =	stream.indirect.scatter.add.f32 [tilespmem:s16], [sflag:$0x3], $0x80, s24, s14, $0xb8;
	[tilespmem:$0x1FB80] =	vst v63  }
0x3d: {  	_ =	swait.ge [sflag:s10], $0x3000  }
0x3e: {  	s21 =	sadd.s32 $0xC0, s21;
	[sflag:s10] =	ssyncset.done $0x0  }
0x3f: {  	s23 =	sadd.s32 $0xFFFFFFA0, s21;
	[sflag:s10] =	ssyncadd.s32 $0xFFFFD000  }
0x40: {  	[tilespmem:s16], [sflag:$0x2] =	stream.indirect.gather [hbm4b:s1+s14], $0x80, s23, s14, $0xb8;
	[tilespmem:$0x1FB80] =	vst v63  }
0x41: {  	_ =	swait.ge [sflag:s17], $0x3000  }
0x42: {  	s22 =	sshra.s32 s22, $0x2;
	[sflag:s17] =	ssyncset.done $0x0  }
0x43: {  	s30 =	sadd.s32 $0x2780, s22;
	[sflag:s17] =	ssyncadd.s32 $0xFFFFD000  }
0x44: {  	[spmem:s3] =	stream.indirect.scatter.add.f32 [tilespmem:s15], [sflag:$0x3], $0x80, s30, s14, $0xb8;
	[tilespmem:$0x1FB80] =	vst v63  }
0x45: {  	_ =	swait.ge [sflag:s10], $0x3000  }
0x46: {  	[sflag:s10] =	ssyncset.done $0x0  }
0x47: {  	[sflag:s10] =	ssyncadd.s32 $0xFFFFD000  }
0x48: {  	[tilespmem:s15], [sflag:$0x1] =	stream.indirect.gather [hbm4b:s1+s14], $0x80, s21, s14, $0xb8;
	[tilespmem:$0x1FB80] =	vst v63  }
0x49: {  	_ =	swait.ge [sflag:s18], $0x3000  }
0x4a: {  	[sflag:s18] =	ssyncset.done $0x0  }
0x4b: {  	s31 =	sadd.s32 $0x2800, s22;
	[sflag:s18] =	ssyncadd.s32 $0xFFFFD000  }
0x4c: {  	[spmem:s3] =	stream.indirect.scatter.add.f32 [tilespmem:s16], [sflag:$0x3], $0x80, s31, s14, $0xb8;
	[tilespmem:$0x1FB80] =	vst v63  }
0x4d: {  	_ =	swait.ge [sflag:s10], $0x3000  }
0x4e: {  	[sflag:s10] =	ssyncset.done $0x0  }
0x4f: {  	[sflag:s10] =	ssyncadd.s32 $0xFFFFD000  }
0x50: {  	_ =	swait.ge [sflag:s17], $0x3000  }
0x51: {  	[sflag:s17] =	ssyncset.done $0x0  }
0x52: {  	[sflag:s17] =	ssyncadd.s32 $0xFFFFD000  }
0x53: {  	[spmem:s3] =	stream.indirect.scatter.add.f32 [tilespmem:s15], [sflag:$0x3], $0x80, s19, s14, $0xb8;
	[tilespmem:$0x1FB80] =	vst v63  }
0x54: {  	_ =	swait.ge [sflag:s10], $0x3000  }
0x55: {  	s20 =	sadd.s32 $0x1, s20;
	[sflag:s10] =	ssyncset.done $0x0  }
0x56: {  	p0 =	sne.s32 s20, s9;
	[sflag:s10] =	ssyncadd.s32 $0xFFFFD000  }
.Ltmp1:
0x57: {  	[bflag:$0x0] =	sbarrier.arrive $0xFFFF;
	(pc) =	sbr.rel @p0 .LBB2_1-.Ltmp1, $4  }
0x58: {  	[hbm:s8], [sflag:s12] =	dma.local [spmem:s13], $0x2780  }
0x59: {  	_ =	swait.ge [sflag:s10], $0x2780  }
0x5a: {  	[sflag:s10] =	ssyncset.done $0x0  }
0x5b: {  	[sflag:s10] =	ssyncadd.s32 $0xFFFFD880  }
0x5c: {  	_ =	sfence.sel $0x180000  }
0x5d: {  	[bflag:$0x0] =	sbarrier.arrive $0xFFFF  }
0x5e: {  	p0 =	sne.s32 s0, $0x0;
	_ =	strace $0x9000004D  }
0x5f: {  	s0 =	sadd.s32 @!p0 $0x100000, s2;
	[bflag:$0x2] =	sbarrier.arrive $0xFFFF  }
0x60: {  	[sflag:s0] =	ssyncadd.tile.s32 @!p0 $0x1;
	_ =	shalt  }
.Lfunc_end2:
_tile_overlayer_lowered:
.L_overlay_start_2:
0x61: {  	(tag) =	ssettag $0x2  }
0x62: {  	s0 =	rddreg [dreg:$0x0];
	s2 =	stileid.u32  }
0x63: {  	s1 =	rddreg [dreg:$0x1];
	p0 =	sne.s32 s2, $0x0  }
0x64: {  	s3 =	rddreg [dreg:$0x2];
	[bflag:$0x3] =	sbarrier.arrive $0xFFFF;
	s2 =	simm.s32 @!p0 $0x1C03  }
0x65: {  	[timem:s3], [sflag:s2] =	dma.local @!p0 [hbm:s0], s1  }
0x66: {  	s0 =	simm.s32 @!p0 $0x3  }
0x67: {  	_ =	swait.ge @!p0 [sflag:s0], s1  }
0x68: {  	s1 =	ssub.s32 @!p0 $0x0, s1;
	[sflag:s0] =	ssyncset.done @!p0 $0x0  }
0x69: {  	[sflag:s0] =	ssyncadd.s32 @!p0 s1  }
0x6a: {  	[bflag:$0x3] =	sbarrier.arrive $0xFFFF  }
0x6b: {  	_ =	shalt  }

// kernel: kernel.9.cloned.1.call-start
scs
__scs_entry_jumppad:
0x0: {  	(pc) =	sbr.rel $0x88, $3  }
0x1: {  	(tag) =	ssettag $0x0;
	lr =	simm.s32 $0x1  }
0x2: {  	[smem:$0x3F9B] =	sst lr;
	_ =	strace $0xD0000000  }
0x3: {  	_ = 	snop  }
0x4: {  	_ = 	snop  }
0x5: {  	_ = 	snop  }
0x6: {  	_ = 	snop  }
0x7: {  	_ = 	snop  }
__scs_overlays_trampoline_lowered:
0x8: {  	[smem:$0x3FAA] =	sst s0  }
0x9: {  	[smem:$0x3FAB] =	sst s1  }
0xa: {  	[smem:$0x3FAC] =	sst s2  }
0xb: {  	[smem:$0x3FAD] =	sst s3  }
0xc: {  	[smem:$0x3FAE] =	sst s4  }
0xd: {  	[smem:$0x3FAF] =	sst s5  }
0xe: {  	[smem:$0x3FB0] =	sst s6  }
0xf: {  	[smem:$0x3FB1] =	sst s7  }
0x10: {  	[smem:$0x3FB2] =	sst s8  }
0x11: {  	[smem:$0x3FB3] =	sst s9;
	s0 =	simm.s32 @!p0 $0x0  }
0x12: {  	s1 =	sld [smem:$0x3F99];
	s0 =	simm.s32 @p0 $0x1  }
0x13: {  	[smem:$0x3FB4] =	sst s0;
	s0 =	simm.s32 @!p1 $0x0  }
0x14: {  	s2 =	sld [smem:$0x3F98];
	s0 =	simm.s32 @p1 $0x1  }
0x15: {  	[smem:$0x3FB5] =	sst s0;
	s0 =	simm.s32 @!p2 $0x0  }
0x16: {  	s3 =	sld [smem:$0x3FDB];
	s0 =	simm.s32 @p2 $0x1  }
0x17: {  	s4 =	simm.s32 $0x1BF5;
	[smem:$0x3FB7] =	sst s0  }
0x18: {  	s0 =	sld [smem:$0x3F9A];
	_ =	swait.ge [sflag:s4], $0x0  }
0x19: {  	s7 =	sld [smem:$0x3F9B]  }
0x1a: {  	s8 =	sadd.s32 $0xFFFFE003, lr  }
0x1b: {  	s9 =	sadd.s32 $0xFFFFFEF7, lr;
	s5 =	simm.s32 $0xFFFFFFFF;
	p2 =	slt.u32 s8, $0xFFFFF086  }
0x1c: {  	p1 =	slt.u32 s9, $0xF7A;
	s5 =	simm.s32 @!p2 $0x0  }
0x1d: {  	s5 =	simm.s32 @p1 $0x1;
	p0 =	seq.s32 s7, s2  }
0x1e: {  	s7 =	smul.u32 @!p0 $0xF7A, s2;
	p2 =	seq.s32 @!p0 s5, $0x0  }
0x1f: {  	s9 =	smul.u32 $0xF7A, s1;
	s8 =	simm.s32 @!p0 $0x1BF5;
	p2 =	por !p2, p0  }
0x20: {  	[sflag:s8] =	ssyncset.s32 @!p0 $0xFFFFF086;
	s6 =	sadd.s32 @!p0 s3, s7;
	s7 =	simm.s32 @!p0 $0x108  }
0x21: {  	s3 =	sadd.s32 s3, s9;
	s6 =	sadd.s32 @!p0 $0x88, s6;
	s7 =	simm.s32 @p2 $0x1082  }
0x22: {  	[simem:s7], [sflag:s8] =	dma.local @!p0 [hbm:s6], $0xF7A  }
0x23: {  	s9 =	sor.u32 $0xD0000000, s2;
	s6 =	simm.s32 $0x108;
	_ =	swait.ge @!p0 [sflag:s8], $0x0  }
0x24: {  	s3 =	sadd.s32 $0x88, s3;
	s6 =	simm.s32 @!p1 $0x1082;
	[sflag:s4] =	ssyncset.s32 $0xFFFFF086  }
0x25: {  	[simem:s6], [sflag:s4] =	dma.local [hbm:s3], $0xF7A  }
0x26: {  	[smem:$0x3F9B] =	sst s1;
	(tag) =	ssettag s2;
	_ =	strace s9  }
0x27: {  	s1 =	sld [smem:$0x3FAB]  }
0x28: {  	s2 =	sld [smem:$0x3FAC]  }
0x29: {  	s4 =	sld [smem:$0x3FAE]  }
0x2a: {  	p0 =	seq.s32 s5, $0x0;
	s5 =	sld [smem:$0x3FAF]  }
0x2b: {  	s6 =	sld [smem:$0x3FB0]  }
0x2c: {  	s7 =	sld [smem:$0x3FB1]  }
0x2d: {  	s3 =	simm.s32 $0x108;
	s8 =	sld [smem:$0x3FB2]  }
0x2e: {  	s3 =	simm.s32 @!p0 $0x1082;
	s9 =	sld [smem:$0x3FB3]  }
0x2f: {  	lr =	sadd.s32 s0, s3;
	s0 =	sld [smem:$0x3FAA]  }
0x30: {  	s3 =	sld [smem:$0x3FAD]  }
0x31: {  	[smem:$0x3FB6] =	sst s10  }
0x32: {  	s10 =	sld [smem:$0x3FB4];
	_ =	sdelay $0x3  }
0x33: {  	p0 =	seq.s32 s10, $0x1;
	s10 =	sld [smem:$0x3FB6];
	_ =	sdelay $0x3  }
0x34: {  	[smem:$0x3FB6] =	sst s10  }
0x35: {  	s10 =	sld [smem:$0x3FB5];
	_ =	sdelay $0x3  }
0x36: {  	p1 =	seq.s32 s10, $0x1;
	s10 =	sld [smem:$0x3FB6];
	_ =	sdelay $0x3  }
0x37: {  	[smem:$0x3FB6] =	sst s10  }
0x38: {  	s10 =	sld [smem:$0x3FB7]  }
0x39: {  	_ = 	snop;
	(pc) =	sbr.ind lr, $3  }
0x3a: {  	_ = 	snop  }
0x3b: {  	_ = 	snop  }
0x3c: {  	p2 =	seq.s32 s10, $0x1;
	s10 =	sld [smem:$0x3FB6]  }
0x3d: {  	_ =	shalt  }
0x3e: {  	_ =	shalt  }
0x3f: {  	_ =	shalt  }
0x40: {  	_ =	shalt  }
0x41: {  	_ =	shalt  }
0x42: {  	_ =	shalt  }
0x43: {  	_ =	shalt  }
0x44: {  	_ =	shalt  }
0x45: {  	_ =	shalt  }
0x46: {  	_ =	shalt  }
0x47: {  	_ =	shalt  }
0x48: {  	_ =	shalt  }
0x49: {  	_ =	shalt  }
0x4a: {  	_ =	shalt  }
0x4b: {  	_ =	shalt  }
0x4c: {  	_ =	shalt  }
0x4d: {  	_ =	shalt  }
0x4e: {  	_ =	shalt  }
0x4f: {  	_ =	shalt  }
0x50: {  	_ =	shalt  }
0x51: {  	_ =	shalt  }
0x52: {  	_ =	shalt  }
0x53: {  	_ =	shalt  }
0x54: {  	_ =	shalt  }
0x55: {  	_ =	shalt  }
0x56: {  	_ =	shalt  }
0x57: {  	_ =	shalt  }
0x58: {  	_ =	shalt  }
0x59: {  	_ =	shalt  }
0x5a: {  	_ =	shalt  }
0x5b: {  	_ =	shalt  }
0x5c: {  	_ =	shalt  }
0x5d: {  	_ =	shalt  }
0x5e: {  	_ =	shalt  }
0x5f: {  	_ =	shalt  }
0x60: {  	_ =	shalt  }
0x61: {  	_ =	shalt  }
0x62: {  	_ =	shalt  }
0x63: {  	_ =	shalt  }
0x64: {  	_ =	shalt  }
0x65: {  	_ =	shalt  }
0x66: {  	_ =	shalt  }
0x67: {  	_ =	shalt  }
0x68: {  	_ =	shalt  }
0x69: {  	_ =	shalt  }
0x6a: {  	_ =	shalt  }
0x6b: {  	_ =	shalt  }
0x6c: {  	_ =	shalt  }
0x6d: {  	_ =	shalt  }
0x6e: {  	_ =	shalt  }
0x6f: {  	_ =	shalt  }
0x70: {  	_ =	shalt  }
0x71: {  	_ =	shalt  }
0x72: {  	_ =	shalt  }
0x73: {  	_ =	shalt  }
0x74: {  	_ =	shalt  }
0x75: {  	_ =	shalt  }
0x76: {  	_ =	shalt  }
0x77: {  	_ =	shalt  }
0x78: {  	_ =	shalt  }
0x79: {  	_ =	shalt  }
0x7a: {  	_ =	shalt  }
0x7b: {  	_ =	shalt  }
0x7c: {  	_ =	shalt  }
0x7d: {  	_ =	shalt  }
0x7e: {  	_ =	shalt  }
0x7f: {  	_ =	shalt  }
0x80: {  	_ =	shalt  }
0x81: {  	_ =	shalt  }
0x82: {  	_ =	shalt  }
0x83: {  	_ =	shalt  }
0x84: {  	_ =	shalt  }
0x85: {  	_ =	shalt  }
0x86: {  	_ =	shalt  }
0x87: {  	_ =	shalt  }
.Lfunc_end0:
.L_simem_size_0:
called_computation_lowered:
.L_overlay_start_0:
0x88: {  	s2 =	sld [smem:$0x3FD9]  }
0x89: {  	s3 =	sld [smem:$0x3FFE];
	_ =	sdelay $0x1  }
0x8a: {  	s1 =	srdreg.scid  }
0x8b: {  	s0 =	sand.u32 $0x1, s1  }
0x8c: {  	s17 =	sshll.u32 s0, $0xA;
	s2 =	sadd.s32 s3, s2  }
0x8d: {  	s2 =	sadd.s32 s2, s17  }
0x8e: {  	[smem:$0x3FC2] =	sst s2  }
0x8f: {  	_ = 	snop  }
0x90: {  	s2 =	sld [smem:$0x3FD0];
	(tm) =	ssettm $0x1  }
0x91: {  	s18 =	sld [smem:$0x3FFB];
	_ =	sdelay $0x3  }
0x92: {  	_ =	strace s18  }
0x93: {  	s3 =	sld [smem:$0x3FFC];
	_ =	sdelay $0x3  }
0x94: {  	_ =	strace s3  }
0x95: {  	s3 =	sld [smem:$0x3FFD];
	_ =	sdelay $0x3  }
0x96: {  	_ =	strace s3  }
0x97: {  	_ =	strace $0x8FFFFFFF  }
0x98: {  	s19 =	sld [smem:$0x3FDB];
	_ =	sdelay $0x1  }
0x99: {  	s4 =	simm.s32 $_scs_section_size  }
0x9a: {  	s5 =	simm.s32 $_size__tile_overlayer_lowered;
	s6 =	simm.s32 $_tile_overlayer_lowered  }
0x9b: {  	s22 =	simm.s32 $0x1BFF;
	s21 =	sshll.u32 s6, $0x1;
	s3 =	sadd.s32 s4, s19  }
0x9c: {  	s7 =	simm.s32 $0x0;
	s20 =	sshll.u32 s5, $0x1;
	s5 =	sadd.s32 s21, s3  }
0x9d: {  	[timem:s7], [sflag:s22] =	dma.local [hbm:s5], s20  }
0x9e: {  	_ =	swait.ge [sflag:s22], s20  }
0x9f: {  	s4 =	ssub.s32 $0x0, s20;
	[sflag:s22] =	ssyncset.done $0x0  }
0xa0: {  	[sflag:s22] =	ssyncadd.s32 s4;
	_ =	sdelay $0x1  }
0xa1: {  	s23 =	simm.s32 $0x1B8B  }
0xa2: {  	_ =	swait.ge [sflag:s23], $0x1  }
0xa3: {  	[sflag:s23] =	ssyncset.done $0x0  }
0xa4: {  	s25 =	simm.s32 $0x1B8E;
	s24 =	sld [smem:$0x3FFE];
	[sflag:s23] =	ssyncadd.s32 $0xFFFFFFFF  }
0xa5: {  	s26 =	simm.s32 $execute0_lowered;
	[smem:$0x3FD2] =	sst s25  }
0xa6: {  	s5 =	sshll.u32 s26, $0x1;
	_ =	strace $0x80000046;
	[dreg:$0x1] =	wrdreg $0xFFFFFFFF  }
0xa7: {  	s28 =	simm.s32 $_size_execute0_lowered;
	s3 =	sadd.s32 s3, s5;
	[dreg:$0x0] =	wrdreg $0x0  }
0xa8: {  	s5 =	sshll.u32 s28, $0x1;
	[dreg:$0x2] =	wrdreg s3  }
0xa9: {  	[dreg:$0x3] =	wrdreg s5  }
0xaa: {  	[dreg:$0x4] =	wrdreg $0xC0  }
0xab: {  	_ =	task [dreg:s7], $0x5FFFF  }
0xac: {  	[dreg:$0x1] =	wrdreg $0xFFFFFFFF  }
0xad: {  	[dreg:$0x0] =	wrdreg $0x60  }
0xae: {  	[dreg:$0x2] =	wrdreg s24  }
0xaf: {  	[dreg:$0x3] =	wrdreg s2  }
0xb0: {  	[dreg:$0x4] =	wrdreg $0x9  }
0xb1: {  	_ =	task.clear_ibuf [dreg:s7], $0x5FFFF;
	_ =	strace $0x90000046  }
0xb2: {  	s29 =	simm.s32 $0x9;
	_ =	strace $0x80000048  }
0xb3: {  	_ =	swait.ge [sflag:s29], $0x1  }
0xb4: {  	[sflag:s29] =	ssyncadd.s32 $0xFFFFFFFF  }
0xb5: {  	_ =	strace $0x90000048  }
0xb6: {  	_ =	sfence  }
0xb7: {  	s30 =	sld [smem:$0x0];
	_ =	sdelay $0x2  }
0xb8: {  	s31 =	sshll.u32 s1, $0xD;
	s1 =	sshrl.u32 s1, $0x2  }
0xb9: {  	s3 =	sand.u32 $0x4000, s31;
	s1 =	sadd.s32 s1, s30  }
0xba: {  	s0 =	sor.u32 s3, s0;
	s1 =	sshll.u32 s1, $0x11  }
0xbb: {  	s0 =	sor.u32 s1, s0  }
0xbc: {  	s0 =	sadd.s32 $0x8F2B, s0  }
0xbd: {  	[sflag:s0] =	ssyncadd.remote.s32 $0x1  }
0xbe: {  	_ =	sfence.sel $0xFFFF  }
0xbf: {  	[dreg:$0x0] =	wrdreg $0xFFFFFFFF;
	(pc) =	sbr.abs _section_cstart, $3  }
0xc0: {  	[dreg:$0x1] =	wrdreg $0xFFFFFFFF  }
0xc1: {  	_ =	task.clear_ibuf [dreg:s7], $0x2FFFF;
	_ =	strace $0x9FFFFFFF  }
0xc2: {  	(tm) =	ssettm $0x7FFFFFFF  }
0xc3: {  	_ =	shalt  }
tec
execute0_lowered:
.L_overlay_start_1:
0x0: {  	(tag) =	ssettag $0x1  }
0x1: {  	s3 =	rddreg [dreg:$0x0]  }
0x2: {  	s1 =	srdreg.scid;
	s0 =	stileid.u32  }
0x3: {  	s4 =	rddreg [dreg:$0x1];
	s5 =	sand.u32 $0x1, s1;
	s2 =	sshll.u32 s0, $0x1  }
0x4: {  	s1 =	rddreg [dreg:$0x2];
	s6 =	sor.u32 s5, s2  }
0x5: {  	s2 =	simm.s32 $0x0;
	s5 =	ssub.s32 $0x2, s5;
	s7 =	smul.u32 $0x700, s6  }
0x6: {  	[smem:$0x7FF] =	sst s2;
	s8 =	sshrl.u32 s5, $0x1;
	s6 =	smul.u32 $0x4F0, s6  }
0x7: {  	_ =	strace $0x80000047;
	s5 =	ssub.s32 s5, s8;
	s8 =	simm.s32 $0x0  }
0x8: {  	s3 =	sadd.s32 s7, s3;
	s4 =	sadd.s32 s4, s6;
	s5 =	smax.u32 s5, $0x1  }
0x9: {  	v0 =	vimm.f32 $0.0e+00;
	v1 =	vimm.f32 $1.000000000e+00;
	s6 =	simm.s32 $0x1;
	s7 =	simm.s32 $0x3800;
	s3 =	sadd.s32 $0xBE00, s3  }
.LBB2_1:
0xa: {  	[tilespmem:s2], [sflag:$0x1] =	stream.linear.gather [hbm4b:s3+s2], $0x3480, $0x38;
	[tilespmem:$0x5F80] =	vst v63  }
0xb: {  	_ =	swait.ge [sflag:s6], $0x3480  }
0xc: {  	[sflag:s6] =	ssyncset.done $0x0  }
0xd: {  	s9 =	simm.s32 $0x0;
	[sflag:s6] =	ssyncadd.s32 $0xFFFFCB80  }
.LBB2_2:
0xe: {  	p0 =	sne.s32 s9, $0x9DC0  }
.Ltmp0:
0xf: {  	_ = 	snop;
	(pc) =	sbr.rel @p0 .LBB2_2-.Ltmp0, $3  }
0x10: {  	_ =	sdelay $0x1  }
0x11: {  	s10 =	sshra.s32 s9, $0x2  }
0x12: {  	s9 =	sadd.s32 $0x40, s9;
	[tilespmem:s10+$0x3800] =	vst v0  }
0x13: {  	s9 =	simm.s32 $0x0  }
.LBB2_4:
0x14: {  	s10 =	sshra.s32 s9, $0x2  }
0x15: {  	v2 =	vld [tilespmem:s10+$0x0];
	_ =	sdelay $0x7  }
0x16: {  	[tilespmem:v2+s7+$0x0] =	vst.idx.add.f32.msk $0xffff, v1  }
0x17: {  	v2 =	vld [tilespmem:s10+$0x10];
	_ =	sdelay $0x7  }
0x18: {  	[tilespmem:v2+s7+$0x0] =	vst.idx.add.f32.msk $0xffff, v1  }
0x19: {  	v2 =	vld [tilespmem:s10+$0x20];
	_ =	sdelay $0x7  }
0x1a: {  	[tilespmem:v2+s7+$0x0] =	vst.idx.add.f32.msk $0xffff, v1  }
0x1b: {  	v2 =	vld [tilespmem:s10+$0x30];
	_ =	sdelay $0x7  }
0x1c: {  	[tilespmem:v2+s7+$0x0] =	vst.idx.add.f32.msk $0xffff, v1  }
0x1d: {  	v2 =	vld [tilespmem:s10+$0x40];
	_ =	sdelay $0x7  }
0x1e: {  	[tilespmem:v2+s7+$0x0] =	vst.idx.add.f32.msk $0xffff, v1  }
0x1f: {  	v2 =	vld [tilespmem:s10+$0x50];
	_ =	sdelay $0x2  }
0x20: {  	p0 =	sne.s32 s9, $0xD000  }
.Ltmp1:
0x21: {  	_ = 	snop;
	(pc) =	sbr.rel @p0 .LBB2_4-.Ltmp1, $2  }
0x22: {  	_ =	sdelay $0x2  }
0x23: {  	s9 =	sadd.s32 $0x200, s9;
	[tilespmem:v2+s7+$0x0] =	vst.idx.add.f32.msk $0xffff, v1  }
0x24: {  	s8 =	sadd.s32 $0x1, s8  }
0x25: {  	p0 =	sne.s32 s8, s5  }
.Ltmp2:
0x26: {  	_ = 	snop;
	(pc) =	sbr.rel @p0 .LBB2_1-.Ltmp2, $4  }
0x27: {  	[hbm4b:s4+s2] =	stream.linear.scatter [tilespmem:s7], [sflag:$0x1], $0x2780, $0x38;
	[tilespmem:$0x5F80] =	vst v63  }
0x28: {  	_ =	swait.ge [sflag:s6], $0x2780  }
0x29: {  	[sflag:s6] =	ssyncset.done $0x0  }
0x2a: {  	[sflag:s6] =	ssyncadd.s32 $0xFFFFD880  }
0x2b: {  	_ =	sfence.sel $0x180000  }
0x2c: {  	[bflag:$0x0] =	sbarrier.arrive $0xFFFF  }
0x2d: {  	p0 =	sne.s32 s0, $0x0;
	_ =	strace $0x90000047  }
0x2e: {  	s0 =	sadd.s32 @!p0 $0x100000, s1;
	[bflag:$0x2] =	sbarrier.arrive $0xFFFF  }
0x2f: {  	[sflag:s0] =	ssyncadd.tile.s32 @!p0 $0x1;
	_ =	shalt  }
.Lfunc_end2:
_tile_overlayer_lowered:
.L_overlay_start_2:
0x30: {  	(tag) =	ssettag $0x2  }
0x31: {  	s0 =	rddreg [dreg:$0x0];
	s2 =	stileid.u32  }
0x32: {  	s1 =	rddreg [dreg:$0x1];
	p0 =	sne.s32 s2, $0x0  }
0x33: {  	s3 =	rddreg [dreg:$0x2];
	[bflag:$0x3] =	sbarrier.arrive $0xFFFF;
	s2 =	simm.s32 @!p0 $0x1C01  }
0x34: {  	[timem:s3], [sflag:s2] =	dma.local @!p0 [hbm:s0], s1  }
0x35: {  	s0 =	simm.s32 @!p0 $0x1  }
0x36: {  	_ =	swait.ge @!p0 [sflag:s0], s1  }
0x37: {  	s1 =	ssub.s32 @!p0 $0x0, s1;
	[sflag:s0] =	ssyncset.done @!p0 $0x0  }
0x38: {  	[sflag:s0] =	ssyncadd.s32 @!p0 s1  }
0x39: {  	[bflag:$0x3] =	sbarrier.arrive $0xFFFF  }
0x3a: {  	_ =	shalt  }

</sc_bundles>
